<compile_context>
chip_gen: v7x
topology: tpu7x:2x2x1
jax: 0.10.2.dev20260603
libtpu: 0.0.44.dev20260713+nightly
codegen_flags: <defaults>
</compile_context>

<pallas_src>
import dataclasses

import jax
import jax.numpy as jnp
from jax import lax
from jax.experimental import pallas as pl
from jax.experimental.pallas import tpu as pltpu
from jax.experimental.pallas import tpu_sc as plsc

N = 10000
D = 128
E = 320000
NC = 2
NS = 16
NW = NC * NS
CHUNK = 128
B_T = 80
EPT = B_T * CHUNK
E_PAD = EPT * NW
W0 = 148
ACC_ROWS = 10112
ACC_BLKS = ACC_ROWS // CHUNK
RPT = ACC_ROWS // NS

_MESH = plsc.VectorSubcoreMesh(
    core_axis_name="c", subcore_axis_name="s", num_cores=NC, num_subcores=NS
)

_CP = pltpu.CompilerParams()
if "needs_layout_passes" in pltpu.CompilerParams.__dataclass_fields__:
    _CP = dataclasses.replace(_CP, needs_layout_passes=False)



def _hist_body(to3_hbm, out_hbm, tbuf_v, cnt_v):
    c = lax.axis_index("c")
    s = lax.axis_index("s")
    wid = c * NS + s

    @pl.loop(0, ACC_ROWS // 16)
    def _(i):
        cnt_v[pl.ds(i * 16, 16)] = jnp.zeros((16,), jnp.float32)

    pltpu.sync_copy(to3_hbm.at[pl.ds(wid * B_T, B_T)], tbuf_v)

    @pl.loop(0, B_T)
    def _(b):
        @pl.loop(0, CHUNK // 16)
        def _(g):
            idx16 = tbuf_v[b, 0, pl.ds(g * 16, 16)]
            plsc.addupdate_scatter(cnt_v, [idx16], jnp.ones((16,), jnp.float32))

    pltpu.sync_copy(cnt_v, out_hbm.at[wid])


_hist = pl.kernel(
    _hist_body,
    out_type=jax.ShapeDtypeStruct((NW, ACC_ROWS), jnp.float32),
    mesh=_MESH,
    scratch_types=[
        pltpu.VMEM((B_T, 1, CHUNK), jnp.int32),
        pltpu.VMEM((ACC_ROWS,), jnp.float32),
    ],
    compiler_params=_CP,
)



def _agg_body(fto_hbm, xs_hbm, out_hbm,
              idx0_v, idx1_v, rows0_v, rows1_v, acc_sh,
              gsem0, gsem1, isem0, isem1, hsem0, hsem1):
    c = lax.axis_index("c")
    s = lax.axis_index("s")

    @pl.loop(0, CHUNK)
    def _(r):
        for g in range(D // 16):
            rows0_v[r, pl.ds(g * 16, 16)] = jnp.zeros((16,), jnp.float32)

    @pl.loop(0, (ACC_BLKS + NS - 1) // NS)
    def _(b):
        blk = b * NS + s

        @pl.when(blk < ACC_BLKS)
        def _():
            pltpu.sync_copy(rows0_v, acc_sh.at[pl.ds(blk * CHUNK, CHUNK)])

    nb = jnp.where(c == 0, W0, 2 * B_T - W0)
    base = jnp.where(c == 0, s * W0, NS * W0 + s * (2 * B_T - W0))
    pltpu.async_copy(fto_hbm.at[base], idx0_v, isem0)
    pltpu.async_copy(fto_hbm.at[base + 1], idx1_v, isem1)
    plsc.subcore_barrier()
    idxs = (idx0_v, idx1_v)
    rows = (rows0_v, rows1_v)
    gsems = (gsem0, gsem1)
    hsems = (hsem0, hsem1)
    isems = (isem0, isem1)

    HC = CHUNK // 2

    def _gather_start(j):
        pltpu.async_copy(
            xs_hbm.at[idxs[j].at[0].at[pl.ds(0, HC)]],
            rows[j].at[pl.ds(0, HC)], gsems[j])
        pltpu.async_copy(
            xs_hbm.at[idxs[j].at[0].at[pl.ds(HC, HC)]],
            rows[j].at[pl.ds(HC, HC)], hsems[j])

    def _gather_wait(j):
        pltpu.make_async_copy(
            xs_hbm.at[idxs[j].at[0].at[pl.ds(0, HC)]],
            rows[j].at[pl.ds(0, HC)], gsems[j]).wait()
        pltpu.make_async_copy(
            xs_hbm.at[idxs[j].at[0].at[pl.ds(HC, HC)]],
            rows[j].at[pl.ds(HC, HC)], hsems[j]).wait()

    pltpu.make_async_copy(fto_hbm.at[base], idx0_v, isem0).wait()
    _gather_start(0)

    @pl.loop(0, nb, step=2)
    def _(b):
        for j in range(2):
            bb = b + j
            j1 = 1 - j

            @pl.when(bb + 1 < nb)
            def _():
                pltpu.make_async_copy(fto_hbm.at[base], idxs[j1], isems[j1]).wait()
                _gather_start(j1)

            _gather_wait(j)
            pltpu.sync_copy(rows[j], acc_sh.at[idxs[j].at[1]], add=True)

            @pl.when(bb + 2 < nb)
            def _():
                pltpu.async_copy(fto_hbm.at[base + bb + 2], idxs[j], isems[j])

    plsc.subcore_barrier()
    pltpu.sync_copy(
        acc_sh.at[pl.ds(s * RPT, RPT)], out_hbm.at[c].at[pl.ds(s * RPT, RPT)]
    )


_agg = pl.kernel(
    _agg_body,
    out_type=jax.ShapeDtypeStruct((NC, ACC_ROWS, D), jnp.float32),
    mesh=_MESH,
    scratch_types=[
        pltpu.VMEM((2, CHUNK), jnp.int32),
        pltpu.VMEM((2, CHUNK), jnp.int32),
        pltpu.VMEM((CHUNK, D), jnp.float32),
        pltpu.VMEM((CHUNK, D), jnp.float32),
        pltpu.VMEM_SHARED((ACC_ROWS, D), jnp.float32),
        pltpu.SemaphoreType.DMA,
        pltpu.SemaphoreType.DMA,
        pltpu.SemaphoreType.DMA,
        pltpu.SemaphoreType.DMA,
        pltpu.SemaphoreType.DMA,
        pltpu.SemaphoreType.DMA,
    ],
)



def _prep_body(degp_ref, x_ref, xs_ref, dinv_ref):
    deg = jnp.sum(degp_ref[...], axis=0, keepdims=True)
    dinv = jnp.where(deg > 0.0, lax.rsqrt(deg), 0.0)
    dinv_col = dinv.T
    dinv_ref[...] = dinv_col
    xs_ref[...] = x_ref[...] * dinv_col[:N]


def _prep(degp, x):
    return pl.pallas_call(
        _prep_body,
        out_shape=(
            jax.ShapeDtypeStruct((N, D), jnp.float32),
            jax.ShapeDtypeStruct((ACC_ROWS, 1), jnp.float32),
        ),
    )(degp, x)


_RB = 1000


def _final_body(aggp_ref, dinv_ref, out_ref):
    out_ref[...] = (aggp_ref[0] + aggp_ref[1]) * dinv_ref[...]


def _final(aggp, dinv):
    return pl.pallas_call(
        _final_body,
        grid=(N // _RB,),
        in_specs=[
            pl.BlockSpec((NC, _RB, D), lambda i: (0, i, 0)),
            pl.BlockSpec((_RB, 1), lambda i: (i, 0)),
        ],
        out_specs=pl.BlockSpec((_RB, D), lambda i: (i, 0)),
        out_shape=jax.ShapeDtypeStruct((N, D), jnp.float32),
    )(aggp, dinv)


def kernel(x, edge_index):
    ei = edge_index.astype(jnp.int32)
    pad = E_PAD - E
    frm2 = jnp.concatenate([ei[0], jnp.zeros((pad,), jnp.int32)]).reshape(
        E_PAD // CHUNK, CHUNK
    )
    to2d = jnp.concatenate([ei[1], jnp.full((pad,), N, jnp.int32)]).reshape(
        E_PAD // CHUNK, CHUNK
    )
    to3 = to2d.reshape(E_PAD // CHUNK, 1, CHUNK)
    fto = jnp.stack([frm2, to2d], axis=1)
    degp = _hist(to3)
    xs, dinv = _prep(degp, x)
    aggp = _agg(fto, xs)
    return _final(aggp, dinv)

# --- scband reference (transcript-rebuilt; emitter-appended) ---
"""Pipeline reference for scband-light-gcn-18202071400769 (READ-ONLY COPY).

The authoritative reference and input builder live on the scoring server;
editing this copy changes nothing except your own understanding.
"""

import jax, jax.numpy as jnp
import numpy as np


def setup_inputs(seed: int = 0) -> dict:
    key = jax.random.key(seed)
    k1, k2 = jax.random.split(key)
    x = jax.random.normal(k1, (10000, 128), dtype=jnp.float32)
    edge_index = jax.random.randint(k2, (2, 320000), 0, 10000, dtype=jnp.int64)
    return {"x": x, "edge_index": edge_index}


def reference(x, edge_index):
    from_ = edge_index[0]
    to_ = edge_index[1]
    n = x.shape[0]
    # degree of destination nodes via scatter-add of ones
    deg = jnp.zeros((n,), dtype=jnp.float32).at[to_].add(jnp.ones_like(to_, dtype=jnp.float32))
    deg = jnp.sqrt(deg)
    deg_inv = 1.0 / deg
    deg_inv = jnp.where(jnp.isinf(deg_inv), 0.0, deg_inv)
    norm = (deg_inv[from_] * deg_inv[to_]).reshape(-1, 1)
    m_j = norm * x[from_]
    output = jnp.zeros_like(x).at[to_].add(m_j)
    return output

if __name__ == "__main__":
    import jax
    _d = setup_inputs()
    print(jax.jit(kernel)(*tuple(_d.values())))

</pallas_src>

<mosaic_0001>
#map = affine_map<(d0, d1) -> (0, 0, 0)>
#map1 = affine_map<(d0, d1) -> (0, 0)>
module attributes {stable_mosaic.version = 14 : i64} {
  func.func @_hist_body(%arg0: i32, %arg1: i32, %arg2: memref<2560x1x128xi32, #tpu.memory_space<hbm>>, %arg3: memref<32x10112xf32, #tpu.memory_space<hbm>>, %arg4: memref<80x1x128xi32, #tpu.memory_space<vmem>>, %arg5: memref<10112xf32, #tpu.memory_space<vmem>>) attributes {dimension_semantics = [#tpu.dimension_semantics<core_parallel>, #tpu.dimension_semantics<subcore_parallel>], iteration_bounds = array<i64: 2, 16>, scalar_prefetch = 0 : i64, scratch_operands = 2 : i64, tpu.core_type = #tpu.core_type<sc_vector_subcore>, window_params = [{transform_indices = #map}, {transform_indices = #map1}]} {
    %mul3A = arith.constant 16 : i32
    %mul3A_0 = arith.muli %arg0, %mul3A : i32
    %add3A = arith.addi %mul3A_0, %arg1 : i32
    %scan3A = arith.constant 0 : i32
    %scan3A_1 = arith.constant 632 : i32
    %scan3A_2 = arith.addi %scan3A, %scan3A_1 : i32
    %scan3A_3 = arith.constant 1 : i32
    scf.for %scan3A_12 = %scan3A to %scan3A_2 step %scan3A_3  : i32 {
      %mul3A_13 = arith.constant 1 : i32
      %mul3A_14 = arith.muli %scan3A_12, %mul3A_13 : i32
      %add3A_15 = arith.constant 0 : i32
      %add3A_16 = arith.addi %add3A_15, %mul3A_14 : i32
      %broadcast_in_dim3A = arith.constant 0.000000e+00 : f32
      %broadcast_in_dim3A_17 = vector.broadcast %broadcast_in_dim3A : f32 to vector<16xf32>
      %mul3A_18 = arith.constant 16 : i32
      %mul3A_19 = arith.muli %add3A_16, %mul3A_18 : i32
      %swap3A = arith.index_cast %mul3A_19 : i32 to index
      %swap3A_20 = tpu.vector_load %arg5[%swap3A] {strides = array<i32>} : memref<10112xf32, #tpu.memory_space<vmem>>, vector<16xf32>,
      tpu.vector_store %arg5[%swap3A], %broadcast_in_dim3A_17 {strides = array<i32>} : memref<10112xf32, #tpu.memory_space<vmem>>, vector<16xf32>,
    }
    %scan3A_4 = arith.constant 632 : i32
    %mul3A_5 = arith.constant 80 : i32
    %mul3A_6 = arith.muli %add3A, %mul3A_5 : i32
    "tpu.region"() ({
      %run_scoped3A = tpu.sem_alloc : memref<!tpu.dma_semaphore, #tpu.memory_space<semaphore_mem>>
      %dma_start3A = arith.constant 0 : i32
      %dma_start3A_12 = arith.constant 0 : i32
      %dma_start3A_13 = tpu.memref_slice %arg2[%mul3A_6, %dma_start3A, %dma_start3A_12] : memref<2560x1x128xi32, #tpu.memory_space<hbm>> -> memref<80x1x128xi32, #tpu.memory_space<hbm>>
      %dma_start3A_14 = arith.constant 0 : i32
      %dma_start3A_15 = arith.constant 0 : i32
      %dma_start3A_16 = tpu.memref_slice %arg2[%mul3A_6, %dma_start3A_14, %dma_start3A_15] : memref<2560x1x128xi32, #tpu.memory_space<hbm>> -> memref<80x1x128xi32, #tpu.memory_space<hbm>>
      tpu.enqueue_dma source(%dma_start3A_16 : memref<80x1x128xi32, #tpu.memory_space<hbm>>) target(%arg4 : memref<80x1x128xi32, #tpu.memory_space<vmem>>) target_semaphore(%run_scoped3A : memref<!tpu.dma_semaphore, #tpu.memory_space<semaphore_mem>>)
      %dma_wait3A = arith.constant 0 : i32
      %dma_wait3A_17 = arith.constant 0 : i32
      %dma_wait3A_18 = tpu.memref_slice %arg2[%mul3A_6, %dma_wait3A, %dma_wait3A_17] : memref<2560x1x128xi32, #tpu.memory_space<hbm>> -> memref<80x1x128xi32, #tpu.memory_space<hbm>>
      %dma_wait3A_19 = arith.constant 0 : i32
      %dma_wait3A_20 = arith.constant 0 : i32
      %dma_wait3A_21 = tpu.memref_slice %arg2[%mul3A_6, %dma_wait3A_19, %dma_wait3A_20] : memref<2560x1x128xi32, #tpu.memory_space<hbm>> -> memref<80x1x128xi32, #tpu.memory_space<hbm>>
      tpu.wait_dma2 semaphore(%run_scoped3A : memref<!tpu.dma_semaphore, #tpu.memory_space<semaphore_mem>>) src(%dma_wait3A_21 : memref<80x1x128xi32, #tpu.memory_space<hbm>>) dst(%arg4 : memref<80x1x128xi32, #tpu.memory_space<vmem>>)
      tpu.yield
    }) : () -> ()
    %scan3A_7 = arith.constant 0 : i32
    %scan3A_8 = arith.constant 80 : i32
    %scan3A_9 = arith.addi %scan3A_7, %scan3A_8 : i32
    %scan3A_10 = arith.constant 1 : i32
    scf.for %scan3A_12 = %scan3A_7 to %scan3A_9 step %scan3A_10  : i32 {
      %mul3A_13 = arith.constant 1 : i32
      %mul3A_14 = arith.muli %scan3A_12, %mul3A_13 : i32
      %add3A_15 = arith.constant 0 : i32
      %add3A_16 = arith.addi %add3A_15, %mul3A_14 : i32
      %scan3A_17 = arith.constant 0 : i32
      %scan3A_18 = arith.constant 8 : i32
      %scan3A_19 = arith.addi %scan3A_17, %scan3A_18 : i32
      %scan3A_20 = arith.constant 1 : i32
      scf.for %scan3A_22 = %scan3A_17 to %scan3A_19 step %scan3A_20  : i32 {
        %mul3A_23 = arith.constant 1 : i32
        %mul3A_24 = arith.muli %scan3A_22, %mul3A_23 : i32
        %add3A_25 = arith.constant 0 : i32
        %add3A_26 = arith.addi %add3A_25, %mul3A_24 : i32
        %mul3A_27 = arith.constant 16 : i32
        %mul3A_28 = arith.muli %add3A_26, %mul3A_27 : i32
        %get3A = arith.constant 0 : i32
        %get3A_29 = arith.index_cast %add3A_16 : i32 to index
        %get3A_30 = arith.index_cast %get3A : i32 to index
        %get3A_31 = arith.index_cast %mul3A_28 : i32 to index
        %get3A_32 = tpu.vector_load %arg4[%get3A_29, %get3A_30, %get3A_31] {strides = array<i32>} : memref<80x1x128xi32, #tpu.memory_space<vmem>>, vector<16xi32>,
        %broadcast_in_dim3A = arith.constant 1.000000e+00 : f32
        %broadcast_in_dim3A_33 = vector.broadcast %broadcast_in_dim3A : f32 to vector<16xf32>
        tpu.vector_store_idx %arg5[%get3A_32], %broadcast_in_dim3A_33 {add = true} : memref<10112xf32, #tpu.memory_space<vmem>>[vector<16xi32>], vector<16xf32>,
      }
      %scan3A_21 = arith.constant 8 : i32
    }
    %scan3A_11 = arith.constant 80 : i32
    "tpu.region"() ({
      %run_scoped3A = tpu.sem_alloc : memref<!tpu.dma_semaphore, #tpu.memory_space<semaphore_mem>>
      %dma_start3A = arith.constant 0 : i32
      %dma_start3A_12 = tpu.memref_slice %arg3[%add3A, %dma_start3A] : memref<32x10112xf32, #tpu.memory_space<hbm>> -> memref<1x10112xf32, #tpu.memory_space<hbm>>
      %dma_start3A_13 = tpu.memref_squeeze %dma_start3A_12 : memref<1x10112xf32, #tpu.memory_space<hbm>> -> memref<10112xf32, #tpu.memory_space<hbm>>
      %dma_start3A_14 = arith.constant 0 : i32
      %dma_start3A_15 = tpu.memref_slice %arg3[%add3A, %dma_start3A_14] : memref<32x10112xf32, #tpu.memory_space<hbm>> -> memref<1x10112xf32, #tpu.memory_space<hbm>>
      %dma_start3A_16 = tpu.memref_squeeze %dma_start3A_15 : memref<1x10112xf32, #tpu.memory_space<hbm>> -> memref<10112xf32, #tpu.memory_space<hbm>>
      tpu.enqueue_dma source(%arg5 : memref<10112xf32, #tpu.memory_space<vmem>>) target(%dma_start3A_16 : memref<10112xf32, #tpu.memory_space<hbm>>) target_semaphore(%run_scoped3A : memref<!tpu.dma_semaphore, #tpu.memory_space<semaphore_mem>>)
      %dma_wait3A = arith.constant 0 : i32
      %dma_wait3A_17 = tpu.memref_slice %arg3[%add3A, %dma_wait3A] : memref<32x10112xf32, #tpu.memory_space<hbm>> -> memref<1x10112xf32, #tpu.memory_space<hbm>>
      %dma_wait3A_18 = tpu.memref_squeeze %dma_wait3A_17 : memref<1x10112xf32, #tpu.memory_space<hbm>> -> memref<10112xf32, #tpu.memory_space<hbm>>
      %dma_wait3A_19 = arith.constant 0 : i32
      %dma_wait3A_20 = tpu.memref_slice %arg3[%add3A, %dma_wait3A_19] : memref<32x10112xf32, #tpu.memory_space<hbm>> -> memref<1x10112xf32, #tpu.memory_space<hbm>>
      %dma_wait3A_21 = tpu.memref_squeeze %dma_wait3A_20 : memref<1x10112xf32, #tpu.memory_space<hbm>> -> memref<10112xf32, #tpu.memory_space<hbm>>
      tpu.wait_dma2 semaphore(%run_scoped3A : memref<!tpu.dma_semaphore, #tpu.memory_space<semaphore_mem>>) src(%arg5 : memref<10112xf32, #tpu.memory_space<vmem>>) dst(%dma_wait3A_21 : memref<10112xf32, #tpu.memory_space<hbm>>)
      tpu.yield
    }) : () -> ()
    return
  }
}

#map = affine_map<(d0, d1) -> (0, 0, 0)>
#map1 = affine_map<(d0, d1) -> (0, 0)>
module attributes {stable_mosaic.version = 14 : i64} {
  func.func @_agg_body(%arg0: i32, %arg1: i32, %arg2: memref<2560x2x128xi32, #tpu.memory_space<hbm>>, %arg3: memref<10000x128xf32, #tpu.memory_space<hbm>>, %arg4: memref<2x10112x128xf32, #tpu.memory_space<hbm>>, %arg5: memref<2x128xi32, #tpu.memory_space<vmem>>, %arg6: memref<2x128xi32, #tpu.memory_space<vmem>>, %arg7: memref<128x128xf32, #tpu.memory_space<vmem>>, %arg8: memref<128x128xf32, #tpu.memory_space<vmem>>, %arg9: memref<10112x128xf32, #tpu.memory_space<vmem_shared>>, %arg10: memref<!tpu.dma_semaphore, #tpu.memory_space<semaphore_mem>>, %arg11: memref<!tpu.dma_semaphore, #tpu.memory_space<semaphore_mem>>, %arg12: memref<!tpu.dma_semaphore, #tpu.memory_space<semaphore_mem>>, %arg13: memref<!tpu.dma_semaphore, #tpu.memory_space<semaphore_mem>>, %arg14: memref<!tpu.dma_semaphore, #tpu.memory_space<semaphore_mem>>, %arg15: memref<!tpu.dma_semaphore, #tpu.memory_space<semaphore_mem>>) attributes {dimension_semantics = [#tpu.dimension_semantics<core_parallel>, #tpu.dimension_semantics<subcore_parallel>], iteration_bounds = array<i64: 2, 16>, scalar_prefetch = 0 : i64, scratch_operands = 11 : i64, tpu.core_type = #tpu.core_type<sc_vector_subcore>, window_params = [{transform_indices = #map}, {transform_indices = #map1}, {transform_indices = #map}]} {
    %scan3A = arith.constant 0 : i32
    %scan3A_0 = arith.constant 128 : i32
    %scan3A_1 = arith.addi %scan3A, %scan3A_0 : i32
    %scan3A_2 = arith.constant 1 : i32
    scf.for %scan3A_87 = %scan3A to %scan3A_1 step %scan3A_2  : i32 {
      %mul3A_88 = arith.constant 1 : i32
      %mul3A_89 = arith.muli %scan3A_87, %mul3A_88 : i32
      %add3A_90 = arith.constant 0 : i32
      %add3A_91 = arith.addi %add3A_90, %mul3A_89 : i32
      %broadcast_in_dim3A = arith.constant 0.000000e+00 : f32
      %broadcast_in_dim3A_92 = vector.broadcast %broadcast_in_dim3A : f32 to vector<16xf32>
      %swap3A = arith.index_cast %add3A_91 : i32 to index
      %swap3A_93 = arith.constant 0 : index
      %swap3A_94 = tpu.vector_load %arg7[%swap3A, %swap3A_93] {strides = array<i32>} : memref<128x128xf32, #tpu.memory_space<vmem>>, vector<1x16xf32>,
      %swap3A_95 = vector.shape_cast %swap3A_94 : vector<1x16xf32> to vector<16xf32>
      %swap3A_96 = vector.shape_cast %broadcast_in_dim3A_92 : vector<16xf32> to vector<1x16xf32>
      tpu.vector_store %arg7[%swap3A, %swap3A_93], %swap3A_96 {strides = array<i32>} : memref<128x128xf32, #tpu.memory_space<vmem>>, vector<1x16xf32>,
      %broadcast_in_dim3A_97 = arith.constant 0.000000e+00 : f32
      %broadcast_in_dim3A_98 = vector.broadcast %broadcast_in_dim3A_97 : f32 to vector<16xf32>
      %swap3A_99 = arith.index_cast %add3A_91 : i32 to index
      %swap3A_100 = arith.constant 16 : index
      %swap3A_101 = tpu.vector_load %arg7[%swap3A_99, %swap3A_100] {strides = array<i32>} : memref<128x128xf32, #tpu.memory_space<vmem>>, vector<1x16xf32>,
      %swap3A_102 = vector.shape_cast %swap3A_101 : vector<1x16xf32> to vector<16xf32>
      %swap3A_103 = vector.shape_cast %broadcast_in_dim3A_98 : vector<16xf32> to vector<1x16xf32>
      tpu.vector_store %arg7[%swap3A_99, %swap3A_100], %swap3A_103 {strides = array<i32>} : memref<128x128xf32, #tpu.memory_space<vmem>>, vector<1x16xf32>,
      %broadcast_in_dim3A_104 = arith.constant 0.000000e+00 : f32
      %broadcast_in_dim3A_105 = vector.broadcast %broadcast_in_dim3A_104 : f32 to vector<16xf32>
      %swap3A_106 = arith.index_cast %add3A_91 : i32 to index
      %swap3A_107 = arith.constant 32 : index
      %swap3A_108 = tpu.vector_load %arg7[%swap3A_106, %swap3A_107] {strides = array<i32>} : memref<128x128xf32, #tpu.memory_space<vmem>>, vector<1x16xf32>,
      %swap3A_109 = vector.shape_cast %swap3A_108 : vector<1x16xf32> to vector<16xf32>
      %swap3A_110 = vector.shape_cast %broadcast_in_dim3A_105 : vector<16xf32> to vector<1x16xf32>
      tpu.vector_store %arg7[%swap3A_106, %swap3A_107], %swap3A_110 {strides = array<i32>} : memref<128x128xf32, #tpu.memory_space<vmem>>, vector<1x16xf32>,
      %broadcast_in_dim3A_111 = arith.constant 0.000000e+00 : f32
      %broadcast_in_dim3A_112 = vector.broadcast %broadcast_in_dim3A_111 : f32 to vector<16xf32>
      %swap3A_113 = arith.index_cast %add3A_91 : i32 to index
      %swap3A_114 = arith.constant 48 : index
      %swap3A_115 = tpu.vector_load %arg7[%swap3A_113, %swap3A_114] {strides = array<i32>} : memref<128x128xf32, #tpu.memory_space<vmem>>, vector<1x16xf32>,
      %swap3A_116 = vector.shape_cast %swap3A_115 : vector<1x16xf32> to vector<16xf32>
      %swap3A_117 = vector.shape_cast %broadcast_in_dim3A_112 : vector<16xf32> to vector<1x16xf32>
      tpu.vector_store %arg7[%swap3A_113, %swap3A_114], %swap3A_117 {strides = array<i32>} : memref<128x128xf32, #tpu.memory_space<vmem>>, vector<1x16xf32>,
      %broadcast_in_dim3A_118 = arith.constant 0.000000e+00 : f32
      %broadcast_in_dim3A_119 = vector.broadcast %broadcast_in_dim3A_118 : f32 to vector<16xf32>
      %swap3A_120 = arith.index_cast %add3A_91 : i32 to index
      %swap3A_121 = arith.constant 64 : index
      %swap3A_122 = tpu.vector_load %arg7[%swap3A_120, %swap3A_121] {strides = array<i32>} : memref<128x128xf32, #tpu.memory_space<vmem>>, vector<1x16xf32>,
      %swap3A_123 = vector.shape_cast %swap3A_122 : vector<1x16xf32> to vector<16xf32>
      %swap3A_124 = vector.shape_cast %broadcast_in_dim3A_119 : vector<16xf32> to vector<1x16xf32>
      tpu.vector_store %arg7[%swap3A_120, %swap3A_121], %swap3A_124 {strides = array<i32>} : memref<128x128xf32, #tpu.memory_space<vmem>>, vector<1x16xf32>,
      %broadcast_in_dim3A_125 = arith.constant 0.000000e+00 : f32
      %broadcast_in_dim3A_126 = vector.broadcast %broadcast_in_dim3A_125 : f32 to vector<16xf32>
      %swap3A_127 = arith.index_cast %add3A_91 : i32 to index
      %swap3A_128 = arith.constant 80 : index
      %swap3A_129 = tpu.vector_load %arg7[%swap3A_127, %swap3A_128] {strides = array<i32>} : memref<128x128xf32, #tpu.memory_space<vmem>>, vector<1x16xf32>,
      %swap3A_130 = vector.shape_cast %swap3A_129 : vector<1x16xf32> to vector<16xf32>
      %swap3A_131 = vector.shape_cast %broadcast_in_dim3A_126 : vector<16xf32> to vector<1x16xf32>
      tpu.vector_store %arg7[%swap3A_127, %swap3A_128], %swap3A_131 {strides = array<i32>} : memref<128x128xf32, #tpu.memory_space<vmem>>, vector<1x16xf32>,
      %broadcast_in_dim3A_132 = arith.constant 0.000000e+00 : f32
      %broadcast_in_dim3A_133 = vector.broadcast %broadcast_in_dim3A_132 : f32 to vector<16xf32>
      %swap3A_134 = arith.index_cast %add3A_91 : i32 to index
      %swap3A_135 = arith.constant 96 : index
      %swap3A_136 = tpu.vector_load %arg7[%swap3A_134, %swap3A_135] {strides = array<i32>} : memref<128x128xf32, #tpu.memory_space<vmem>>, vector<1x16xf32>,
      %swap3A_137 = vector.shape_cast %swap3A_136 : vector<1x16xf32> to vector<16xf32>
      %swap3A_138 = vector.shape_cast %broadcast_in_dim3A_133 : vector<16xf32> to vector<1x16xf32>
      tpu.vector_store %arg7[%swap3A_134, %swap3A_135], %swap3A_138 {strides = array<i32>} : memref<128x128xf32, #tpu.memory_space<vmem>>, vector<1x16xf32>,
      %broadcast_in_dim3A_139 = arith.constant 0.000000e+00 : f32
      %broadcast_in_dim3A_140 = vector.broadcast %broadcast_in_dim3A_139 : f32 to vector<16xf32>
      %swap3A_141 = arith.index_cast %add3A_91 : i32 to index
      %swap3A_142 = arith.constant 112 : index
      %swap3A_143 = tpu.vector_load %arg7[%swap3A_141, %swap3A_142] {strides = array<i32>} : memref<128x128xf32, #tpu.memory_space<vmem>>, vector<1x16xf32>,
      %swap3A_144 = vector.shape_cast %swap3A_143 : vector<1x16xf32> to vector<16xf32>
      %swap3A_145 = vector.shape_cast %broadcast_in_dim3A_140 : vector<16xf32> to vector<1x16xf32>
      tpu.vector_store %arg7[%swap3A_141, %swap3A_142], %swap3A_145 {strides = array<i32>} : memref<128x128xf32, #tpu.memory_space<vmem>>, vector<1x16xf32>,
    }
    %scan3A_3 = arith.constant 128 : i32
    %scan3A_4 = arith.constant 0 : i32
    %scan3A_5 = arith.constant 5 : i32
    %scan3A_6 = arith.addi %scan3A_4, %scan3A_5 : i32
    %scan3A_7 = arith.constant 1 : i32
    scf.for %scan3A_87 = %scan3A_4 to %scan3A_6 step %scan3A_7  : i32 {
      %mul3A_88 = arith.constant 1 : i32
      %mul3A_89 = arith.muli %scan3A_87, %mul3A_88 : i32
      %add3A_90 = arith.constant 0 : i32
      %add3A_91 = arith.addi %add3A_90, %mul3A_89 : i32
      %mul3A_92 = arith.constant 16 : i32
      %mul3A_93 = arith.muli %add3A_91, %mul3A_92 : i32
      %add3A_94 = arith.addi %mul3A_93, %arg1 : i32
      %lt3A = arith.constant 79 : i32
      %lt3A_95 = arith.cmpi slt, %add3A_94, %lt3A : i32
      %convert_element_type3A = arith.extui %lt3A_95 : i1 to i32
      %cond3A = arith.constant 0 : i32
      %cond3A_96 = arith.cmpi ne, %convert_element_type3A, %cond3A : i32
      scf.if %cond3A_96 {
        %mul3A_97 = arith.constant 128 : i32
        %mul3A_98 = arith.muli %add3A_94, %mul3A_97 : i32
        "tpu.region"() ({
          %run_scoped3A = tpu.sem_alloc : memref<!tpu.dma_semaphore, #tpu.memory_space<semaphore_mem>>
          %dma_start3A_99 = arith.constant 0 : i32
          %dma_start3A_100 = tpu.memref_slice %arg9[%mul3A_98, %dma_start3A_99] : memref<10112x128xf32, #tpu.memory_space<vmem_shared>> -> memref<128x128xf32, #tpu.memory_space<vmem_shared>>
          %dma_start3A_101 = arith.constant 0 : i32
          %dma_start3A_102 = tpu.memref_slice %arg9[%mul3A_98, %dma_start3A_101] : memref<10112x128xf32, #tpu.memory_space<vmem_shared>> -> memref<128x128xf32, #tpu.memory_space<vmem_shared>>
          tpu.enqueue_dma source(%arg7 : memref<128x128xf32, #tpu.memory_space<vmem>>) target(%dma_start3A_102 : memref<128x128xf32, #tpu.memory_space<vmem_shared>>) target_semaphore(%run_scoped3A : memref<!tpu.dma_semaphore, #tpu.memory_space<semaphore_mem>>)
          %dma_wait3A_103 = arith.constant 0 : i32
          %dma_wait3A_104 = tpu.memref_slice %arg9[%mul3A_98, %dma_wait3A_103] : memref<10112x128xf32, #tpu.memory_space<vmem_shared>> -> memref<128x128xf32, #tpu.memory_space<vmem_shared>>
          %dma_wait3A_105 = arith.constant 0 : i32
          %dma_wait3A_106 = tpu.memref_slice %arg9[%mul3A_98, %dma_wait3A_105] : memref<10112x128xf32, #tpu.memory_space<vmem_shared>> -> memref<128x128xf32, #tpu.memory_space<vmem_shared>>
          tpu.wait_dma2 semaphore(%run_scoped3A : memref<!tpu.dma_semaphore, #tpu.memory_space<semaphore_mem>>) src(%arg7 : memref<128x128xf32, #tpu.memory_space<vmem>>) dst(%dma_wait3A_106 : memref<128x128xf32, #tpu.memory_space<vmem_shared>>)
          tpu.yield
        }) : () -> ()
      } else {
      }
    }
    %scan3A_8 = arith.constant 5 : i32
    %eq3A = arith.constant 0 : i32
    %eq3A_9 = arith.cmpi eq, %arg0, %eq3A : i32
    %jit3A = arith.constant 148 : i32
    %jit3A_10 = arith.constant 12 : i32
    %select_n3A = arith.select %eq3A_9, %jit3A, %jit3A_10 : i32
    %eq3A_11 = arith.constant 0 : i32
    %eq3A_12 = arith.cmpi eq, %arg0, %eq3A_11 : i32
    %mul3A = arith.constant 148 : i32
    %mul3A_13 = arith.muli %arg1, %mul3A : i32
    %mul3A_14 = arith.constant 12 : i32
    %mul3A_15 = arith.muli %arg1, %mul3A_14 : i32
    %add3A = arith.constant 2368 : i32
    %add3A_16 = arith.addi %add3A, %mul3A_15 : i32
    %select_n3A_17 = arith.select %eq3A_12, %mul3A_13, %add3A_16 : i32
    %dma_start3A = arith.constant 0 : i32
    %dma_start3A_18 = arith.constant 0 : i32
    %dma_start3A_19 = tpu.memref_slice %arg2[%select_n3A_17, %dma_start3A, %dma_start3A_18] : memref<2560x2x128xi32, #tpu.memory_space<hbm>> -> memref<1x2x128xi32, #tpu.memory_space<hbm>>
    %dma_start3A_20 = tpu.memref_squeeze %dma_start3A_19 : memref<1x2x128xi32, #tpu.memory_space<hbm>> -> memref<2x128xi32, #tpu.memory_space<hbm>>
    %dma_start3A_21 = arith.constant 0 : i32
    %dma_start3A_22 = arith.constant 0 : i32
    %dma_start3A_23 = tpu.memref_slice %arg2[%select_n3A_17, %dma_start3A_21, %dma_start3A_22] : memref<2560x2x128xi32, #tpu.memory_space<hbm>> -> memref<1x2x128xi32, #tpu.memory_space<hbm>>
    %dma_start3A_24 = tpu.memref_squeeze %dma_start3A_23 : memref<1x2x128xi32, #tpu.memory_space<hbm>> -> memref<2x128xi32, #tpu.memory_space<hbm>>
    tpu.enqueue_dma source(%dma_start3A_24 : memref<2x128xi32, #tpu.memory_space<hbm>>) target(%arg5 : memref<2x128xi32, #tpu.memory_space<vmem>>) target_semaphore(%arg12 : memref<!tpu.dma_semaphore, #tpu.memory_space<semaphore_mem>>)
    %add3A_25 = arith.constant 1 : i32
    %add3A_26 = arith.addi %select_n3A_17, %add3A_25 : i32
    %dma_start3A_27 = arith.constant 0 : i32
    %dma_start3A_28 = arith.constant 0 : i32
    %dma_start3A_29 = tpu.memref_slice %arg2[%add3A_26, %dma_start3A_27, %dma_start3A_28] : memref<2560x2x128xi32, #tpu.memory_space<hbm>> -> memref<1x2x128xi32, #tpu.memory_space<hbm>>
    %dma_start3A_30 = tpu.memref_squeeze %dma_start3A_29 : memref<1x2x128xi32, #tpu.memory_space<hbm>> -> memref<2x128xi32, #tpu.memory_space<hbm>>
    %dma_start3A_31 = arith.constant 0 : i32
    %dma_start3A_32 = arith.constant 0 : i32
    %dma_start3A_33 = tpu.memref_slice %arg2[%add3A_26, %dma_start3A_31, %dma_start3A_32] : memref<2560x2x128xi32, #tpu.memory_space<hbm>> -> memref<1x2x128xi32, #tpu.memory_space<hbm>>
    %dma_start3A_34 = tpu.memref_squeeze %dma_start3A_33 : memref<1x2x128xi32, #tpu.memory_space<hbm>> -> memref<2x128xi32, #tpu.memory_space<hbm>>
    tpu.enqueue_dma source(%dma_start3A_34 : memref<2x128xi32, #tpu.memory_space<hbm>>) target(%arg6 : memref<2x128xi32, #tpu.memory_space<vmem>>) target_semaphore(%arg13 : memref<!tpu.dma_semaphore, #tpu.memory_space<semaphore_mem>>)
    %barrier3A = arith.constant 0 : index
    tpu.barrier barrier_id(%barrier3A)
    %dma_wait3A = arith.constant 0 : i32
    %dma_wait3A_35 = arith.constant 0 : i32
    %dma_wait3A_36 = tpu.memref_slice %arg2[%select_n3A_17, %dma_wait3A, %dma_wait3A_35] : memref<2560x2x128xi32, #tpu.memory_space<hbm>> -> memref<1x2x128xi32, #tpu.memory_space<hbm>>
    %dma_wait3A_37 = tpu.memref_squeeze %dma_wait3A_36 : memref<1x2x128xi32, #tpu.memory_space<hbm>> -> memref<2x128xi32, #tpu.memory_space<hbm>>
    %dma_wait3A_38 = arith.constant 0 : i32
    %dma_wait3A_39 = arith.constant 0 : i32
    %dma_wait3A_40 = tpu.memref_slice %arg2[%select_n3A_17, %dma_wait3A_38, %dma_wait3A_39] : memref<2560x2x128xi32, #tpu.memory_space<hbm>> -> memref<1x2x128xi32, #tpu.memory_space<hbm>>
    %dma_wait3A_41 = tpu.memref_squeeze %dma_wait3A_40 : memref<1x2x128xi32, #tpu.memory_space<hbm>> -> memref<2x128xi32, #tpu.memory_space<hbm>>
    tpu.wait_dma2 semaphore(%arg12 : memref<!tpu.dma_semaphore, #tpu.memory_space<semaphore_mem>>) src(%dma_wait3A_41 : memref<2x128xi32, #tpu.memory_space<hbm>>) dst(%arg5 : memref<2x128xi32, #tpu.memory_space<vmem>>)
    %dma_start3A_42 = arith.constant 0 : i32
    %dma_start3A_43 = arith.constant 0 : i32
    %dma_start3A_44 = arith.constant 0 : i32
    %dma_start3A_45 = tpu.memref_slice %arg7[%dma_start3A_43, %dma_start3A_44] : memref<128x128xf32, #tpu.memory_space<vmem>> -> memref<64x128xf32, #tpu.memory_space<vmem>>
    %dma_start3A_46 = arith.constant 0 : i32
    %dma_start3A_47 = tpu.memref_slice %arg5[%dma_start3A_42, %dma_start3A_46] : memref<2x128xi32, #tpu.memory_space<vmem>> -> memref<1x128xi32, #tpu.memory_space<vmem>>
    %dma_start3A_48 = tpu.memref_squeeze %dma_start3A_47 : memref<1x128xi32, #tpu.memory_space<vmem>> -> memref<128xi32, #tpu.memory_space<vmem>>
    %dma_start3A_49 = arith.constant 0 : i32
    %dma_start3A_50 = tpu.memref_slice %dma_start3A_48[%dma_start3A_49] : memref<128xi32, #tpu.memory_space<vmem>> -> memref<64xi32, #tpu.memory_space<vmem>>
    %dma_start3A_51 = arith.constant 0 : i32
    %dma_start3A_52 = arith.constant 0 : i32
    %dma_start3A_53 = tpu.memref_slice %arg3[%dma_start3A_51, %dma_start3A_52] : memref<10000x128xf32, #tpu.memory_space<hbm>> -> memref<10000x128xf32, #tpu.memory_space<hbm>>
    tpu.enqueue_indirect_dma source(%dma_start3A_53 : memref<10000x128xf32, #tpu.memory_space<hbm>>) target(%dma_start3A_45 : memref<64x128xf32, #tpu.memory_space<vmem>>) offsets(%dma_start3A_50 : memref<64xi32, #tpu.memory_space<vmem>>) semaphore(%arg10 : memref<!tpu.dma_semaphore, #tpu.memory_space<semaphore_mem>>)
    %dma_start3A_54 = arith.constant 0 : i32
    %dma_start3A_55 = arith.constant 64 : i32
    %dma_start3A_56 = arith.constant 0 : i32
    %dma_start3A_57 = tpu.memref_slice %arg7[%dma_start3A_55, %dma_start3A_56] : memref<128x128xf32, #tpu.memory_space<vmem>> -> memref<64x128xf32, #tpu.memory_space<vmem>>
    %dma_start3A_58 = arith.constant 0 : i32
    %dma_start3A_59 = tpu.memref_slice %arg5[%dma_start3A_54, %dma_start3A_58] : memref<2x128xi32, #tpu.memory_space<vmem>> -> memref<1x128xi32, #tpu.memory_space<vmem>>
    %dma_start3A_60 = tpu.memref_squeeze %dma_start3A_59 : memref<1x128xi32, #tpu.memory_space<vmem>> -> memref<128xi32, #tpu.memory_space<vmem>>
    %dma_start3A_61 = arith.constant 64 : i32
    %dma_start3A_62 = tpu.memref_slice %dma_start3A_60[%dma_start3A_61] : memref<128xi32, #tpu.memory_space<vmem>> -> memref<64xi32, #tpu.memory_space<vmem>>
    %dma_start3A_63 = arith.constant 0 : i32
    %dma_start3A_64 = arith.constant 0 : i32
    %dma_start3A_65 = tpu.memref_slice %arg3[%dma_start3A_63, %dma_start3A_64] : memref<10000x128xf32, #tpu.memory_space<hbm>> -> memref<10000x128xf32, #tpu.memory_space<hbm>>
    tpu.enqueue_indirect_dma source(%dma_start3A_65 : memref<10000x128xf32, #tpu.memory_space<hbm>>) target(%dma_start3A_57 : memref<64x128xf32, #tpu.memory_space<vmem>>) offsets(%dma_start3A_62 : memref<64xi32, #tpu.memory_space<vmem>>) semaphore(%arg14 : memref<!tpu.dma_semaphore, #tpu.memory_space<semaphore_mem>>)
    %sub3A = arith.constant 0 : i32
    %sub3A_66 = arith.subi %select_n3A, %sub3A : i32
    %sub3A_67 = arith.constant 2 : i32
    %sub3A_68 = arith.constant 1 : i32
    %sub3A_69 = arith.subi %sub3A_67, %sub3A_68 : i32
    %add3A_70 = arith.addi %sub3A_66, %sub3A_69 : i32
    %div3A = arith.constant 2 : i32
    %div3A_71 = arith.divsi %add3A_70, %div3A : i32
    %while3A = arith.constant 2 : i32
    %while3A_72 = arith.constant 0 : i32
    %while3A_73 = arith.constant 0 : i32
    %while3A_74 = arith.subi %div3A_71, %while3A_73 : i32
    %while3A_75 = arith.addi %while3A_73, %while3A_74 : i32
    %while3A_76 = arith.constant 1 : i32
    %while3A_77 = arith.divsi %while3A_74, %while3A_76 : i32
    %while3A_78 = arith.muli %while3A_77, %while3A_76 : i32
    %while3A_79 = arith.addi %while3A_73, %while3A_78 : i32
    %while3A_80 = arith.constant 1 : i32
    scf.for %while3A_87 = %while3A_73 to %while3A_79 step %while3A_80  : i32 {
      %mul3A_88 = arith.muli %while3A_87, %while3A : i32
      %add3A_89 = arith.addi %while3A_72, %mul3A_88 : i32
      %add3A_90 = arith.constant 0 : i32
      %add3A_91 = arith.addi %add3A_89, %add3A_90 : i32
      %add3A_92 = arith.constant 1 : i32
      %add3A_93 = arith.addi %add3A_91, %add3A_92 : i32
      %lt3A = arith.cmpi slt, %add3A_93, %select_n3A : i32
      %convert_element_type3A = arith.extui %lt3A : i1 to i32
      %cond3A = arith.constant 0 : i32
      %cond3A_94 = arith.cmpi ne, %convert_element_type3A, %cond3A : i32
      scf.if %cond3A_94 {
        %dma_wait3A_164 = arith.constant 0 : i32
        %dma_wait3A_165 = arith.constant 0 : i32
        %dma_wait3A_166 = tpu.memref_slice %arg2[%select_n3A_17, %dma_wait3A_164, %dma_wait3A_165] : memref<2560x2x128xi32, #tpu.memory_space<hbm>> -> memref<1x2x128xi32, #tpu.memory_space<hbm>>
        %dma_wait3A_167 = tpu.memref_squeeze %dma_wait3A_166 : memref<1x2x128xi32, #tpu.memory_space<hbm>> -> memref<2x128xi32, #tpu.memory_space<hbm>>
        %dma_wait3A_168 = arith.constant 0 : i32
        %dma_wait3A_169 = arith.constant 0 : i32
        %dma_wait3A_170 = tpu.memref_slice %arg2[%select_n3A_17, %dma_wait3A_168, %dma_wait3A_169] : memref<2560x2x128xi32, #tpu.memory_space<hbm>> -> memref<1x2x128xi32, #tpu.memory_space<hbm>>
        %dma_wait3A_171 = tpu.memref_squeeze %dma_wait3A_170 : memref<1x2x128xi32, #tpu.memory_space<hbm>> -> memref<2x128xi32, #tpu.memory_space<hbm>>
        tpu.wait_dma2 semaphore(%arg13 : memref<!tpu.dma_semaphore, #tpu.memory_space<semaphore_mem>>) src(%dma_wait3A_171 : memref<2x128xi32, #tpu.memory_space<hbm>>) dst(%arg6 : memref<2x128xi32, #tpu.memory_space<vmem>>)
        %dma_start3A_172 = arith.constant 0 : i32
        %dma_start3A_173 = arith.constant 0 : i32
        %dma_start3A_174 = arith.constant 0 : i32
        %dma_start3A_175 = tpu.memref_slice %arg8[%dma_start3A_173, %dma_start3A_174] : memref<128x128xf32, #tpu.memory_space<vmem>> -> memref<64x128xf32, #tpu.memory_space<vmem>>
        %dma_start3A_176 = arith.constant 0 : i32
        %dma_start3A_177 = tpu.memref_slice %arg6[%dma_start3A_172, %dma_start3A_176] : memref<2x128xi32, #tpu.memory_space<vmem>> -> memref<1x128xi32, #tpu.memory_space<vmem>>
        %dma_start3A_178 = tpu.memref_squeeze %dma_start3A_177 : memref<1x128xi32, #tpu.memory_space<vmem>> -> memref<128xi32, #tpu.memory_space<vmem>>
        %dma_start3A_179 = arith.constant 0 : i32
        %dma_start3A_180 = tpu.memref_slice %dma_start3A_178[%dma_start3A_179] : memref<128xi32, #tpu.memory_space<vmem>> -> memref<64xi32, #tpu.memory_space<vmem>>
        %dma_start3A_181 = arith.constant 0 : i32
        %dma_start3A_182 = arith.constant 0 : i32
        %dma_start3A_183 = tpu.memref_slice %arg3[%dma_start3A_181, %dma_start3A_182] : memref<10000x128xf32, #tpu.memory_space<hbm>> -> memref<10000x128xf32, #tpu.memory_space<hbm>>
        tpu.enqueue_indirect_dma source(%dma_start3A_183 : memref<10000x128xf32, #tpu.memory_space<hbm>>) target(%dma_start3A_175 : memref<64x128xf32, #tpu.memory_space<vmem>>) offsets(%dma_start3A_180 : memref<64xi32, #tpu.memory_space<vmem>>) semaphore(%arg11 : memref<!tpu.dma_semaphore, #tpu.memory_space<semaphore_mem>>)
        %dma_start3A_184 = arith.constant 0 : i32
        %dma_start3A_185 = arith.constant 64 : i32
        %dma_start3A_186 = arith.constant 0 : i32
        %dma_start3A_187 = tpu.memref_slice %arg8[%dma_start3A_185, %dma_start3A_186] : memref<128x128xf32, #tpu.memory_space<vmem>> -> memref<64x128xf32, #tpu.memory_space<vmem>>
        %dma_start3A_188 = arith.constant 0 : i32
        %dma_start3A_189 = tpu.memref_slice %arg6[%dma_start3A_184, %dma_start3A_188] : memref<2x128xi32, #tpu.memory_space<vmem>> -> memref<1x128xi32, #tpu.memory_space<vmem>>
        %dma_start3A_190 = tpu.memref_squeeze %dma_start3A_189 : memref<1x128xi32, #tpu.memory_space<vmem>> -> memref<128xi32, #tpu.memory_space<vmem>>
        %dma_start3A_191 = arith.constant 64 : i32
        %dma_start3A_192 = tpu.memref_slice %dma_start3A_190[%dma_start3A_191] : memref<128xi32, #tpu.memory_space<vmem>> -> memref<64xi32, #tpu.memory_space<vmem>>
        %dma_start3A_193 = arith.constant 0 : i32
        %dma_start3A_194 = arith.constant 0 : i32
        %dma_start3A_195 = tpu.memref_slice %arg3[%dma_start3A_193, %dma_start3A_194] : memref<10000x128xf32, #tpu.memory_space<hbm>> -> memref<10000x128xf32, #tpu.memory_space<hbm>>
        tpu.enqueue_indirect_dma source(%dma_start3A_195 : memref<10000x128xf32, #tpu.memory_space<hbm>>) target(%dma_start3A_187 : memref<64x128xf32, #tpu.memory_space<vmem>>) offsets(%dma_start3A_192 : memref<64xi32, #tpu.memory_space<vmem>>) semaphore(%arg15 : memref<!tpu.dma_semaphore, #tpu.memory_space<semaphore_mem>>)
      } else {
      }
      %dma_wait3A_95 = arith.constant 0 : i32
      %dma_wait3A_96 = arith.constant 0 : i32
      %dma_wait3A_97 = arith.constant 0 : i32
      %dma_wait3A_98 = tpu.memref_slice %arg7[%dma_wait3A_96, %dma_wait3A_97] : memref<128x128xf32, #tpu.memory_space<vmem>> -> memref<64x128xf32, #tpu.memory_space<vmem>>
      %dma_wait3A_99 = arith.constant 0 : i32
      %dma_wait3A_100 = tpu.memref_slice %arg5[%dma_wait3A_95, %dma_wait3A_99] : memref<2x128xi32, #tpu.memory_space<vmem>> -> memref<1x128xi32, #tpu.memory_space<vmem>>
      %dma_wait3A_101 = tpu.memref_squeeze %dma_wait3A_100 : memref<1x128xi32, #tpu.memory_space<vmem>> -> memref<128xi32, #tpu.memory_space<vmem>>
      %dma_wait3A_102 = arith.constant 0 : i32
      %dma_wait3A_103 = tpu.memref_slice %dma_wait3A_101[%dma_wait3A_102] : memref<128xi32, #tpu.memory_space<vmem>> -> memref<64xi32, #tpu.memory_space<vmem>>
      %dma_wait3A_104 = arith.constant 0 : i32
      %dma_wait3A_105 = arith.constant 0 : i32
      %dma_wait3A_106 = tpu.memref_slice %arg3[%dma_wait3A_104, %dma_wait3A_105] : memref<10000x128xf32, #tpu.memory_space<hbm>> -> memref<10000x128xf32, #tpu.memory_space<hbm>>
      tpu.wait_indirect_dma semaphore(%arg10 : memref<!tpu.dma_semaphore, #tpu.memory_space<semaphore_mem>>) src(%dma_wait3A_106 : memref<10000x128xf32, #tpu.memory_space<hbm>>) dst(%dma_wait3A_98 : memref<64x128xf32, #tpu.memory_space<vmem>>)
      %dma_wait3A_107 = arith.constant 0 : i32
      %dma_wait3A_108 = arith.constant 64 : i32
      %dma_wait3A_109 = arith.constant 0 : i32
      %dma_wait3A_110 = tpu.memref_slice %arg7[%dma_wait3A_108, %dma_wait3A_109] : memref<128x128xf32, #tpu.memory_space<vmem>> -> memref<64x128xf32, #tpu.memory_space<vmem>>
      %dma_wait3A_111 = arith.constant 0 : i32
      %dma_wait3A_112 = tpu.memref_slice %arg5[%dma_wait3A_107, %dma_wait3A_111] : memref<2x128xi32, #tpu.memory_space<vmem>> -> memref<1x128xi32, #tpu.memory_space<vmem>>
      %dma_wait3A_113 = tpu.memref_squeeze %dma_wait3A_112 : memref<1x128xi32, #tpu.memory_space<vmem>> -> memref<128xi32, #tpu.memory_space<vmem>>
      %dma_wait3A_114 = arith.constant 64 : i32
      %dma_wait3A_115 = tpu.memref_slice %dma_wait3A_113[%dma_wait3A_114] : memref<128xi32, #tpu.memory_space<vmem>> -> memref<64xi32, #tpu.memory_space<vmem>>
      %dma_wait3A_116 = arith.constant 0 : i32
      %dma_wait3A_117 = arith.constant 0 : i32
      %dma_wait3A_118 = tpu.memref_slice %arg3[%dma_wait3A_116, %dma_wait3A_117] : memref<10000x128xf32, #tpu.memory_space<hbm>> -> memref<10000x128xf32, #tpu.memory_space<hbm>>
      tpu.wait_indirect_dma semaphore(%arg14 : memref<!tpu.dma_semaphore, #tpu.memory_space<semaphore_mem>>) src(%dma_wait3A_118 : memref<10000x128xf32, #tpu.memory_space<hbm>>) dst(%dma_wait3A_110 : memref<64x128xf32, #tpu.memory_space<vmem>>)
      %run_scoped3A = arith.constant 1 : i32
      "tpu.region"() ({
        %run_scoped3A_164 = tpu.sem_alloc : memref<!tpu.dma_semaphore, #tpu.memory_space<semaphore_mem>>
        %dma_start3A_165 = arith.constant 0 : i32
        %dma_start3A_166 = tpu.memref_slice %arg5[%run_scoped3A, %dma_start3A_165] : memref<2x128xi32, #tpu.memory_space<vmem>> -> memref<1x128xi32, #tpu.memory_space<vmem>>
        %dma_start3A_167 = tpu.memref_squeeze %dma_start3A_166 : memref<1x128xi32, #tpu.memory_space<vmem>> -> memref<128xi32, #tpu.memory_space<vmem>>
        %dma_start3A_168 = arith.constant 0 : i32
        %dma_start3A_169 = arith.constant 0 : i32
        %dma_start3A_170 = tpu.memref_slice %arg9[%dma_start3A_168, %dma_start3A_169] : memref<10112x128xf32, #tpu.memory_space<vmem_shared>> -> memref<10112x128xf32, #tpu.memory_space<vmem_shared>>
        tpu.enqueue_indirect_dma source(%arg7 : memref<128x128xf32, #tpu.memory_space<vmem>>) target(%dma_start3A_170 : memref<10112x128xf32, #tpu.memory_space<vmem_shared>>) offsets(%dma_start3A_167 : memref<128xi32, #tpu.memory_space<vmem>>) semaphore(%run_scoped3A_164 : memref<!tpu.dma_semaphore, #tpu.memory_space<semaphore_mem>>) {add = true}
        %dma_wait3A_171 = arith.constant 0 : i32
        %dma_wait3A_172 = tpu.memref_slice %arg5[%run_scoped3A, %dma_wait3A_171] : memref<2x128xi32, #tpu.memory_space<vmem>> -> memref<1x128xi32, #tpu.memory_space<vmem>>
        %dma_wait3A_173 = tpu.memref_squeeze %dma_wait3A_172 : memref<1x128xi32, #tpu.memory_space<vmem>> -> memref<128xi32, #tpu.memory_space<vmem>>
        %dma_wait3A_174 = arith.constant 0 : i32
        %dma_wait3A_175 = arith.constant 0 : i32
        %dma_wait3A_176 = tpu.memref_slice %arg9[%dma_wait3A_174, %dma_wait3A_175] : memref<10112x128xf32, #tpu.memory_space<vmem_shared>> -> memref<10112x128xf32, #tpu.memory_space<vmem_shared>>
        tpu.wait_indirect_dma semaphore(%run_scoped3A_164 : memref<!tpu.dma_semaphore, #tpu.memory_space<semaphore_mem>>) src(%arg7 : memref<128x128xf32, #tpu.memory_space<vmem>>) dst(%dma_wait3A_176 : memref<10112x128xf32, #tpu.memory_space<vmem_shared>>)
        tpu.yield
      }) : () -> ()
      %add3A_119 = arith.constant 2 : i32
      %add3A_120 = arith.addi %add3A_91, %add3A_119 : i32
      %lt3A_121 = arith.cmpi slt, %add3A_120, %select_n3A : i32
      %convert_element_type3A_122 = arith.extui %lt3A_121 : i1 to i32
      %cond3A_123 = arith.constant 0 : i32
      %cond3A_124 = arith.cmpi ne, %convert_element_type3A_122, %cond3A_123 : i32
      scf.if %cond3A_124 {
        %add3A_164 = arith.addi %select_n3A_17, %add3A_91 : i32
        %add3A_165 = arith.constant 2 : i32
        %add3A_166 = arith.addi %add3A_164, %add3A_165 : i32
        %dma_start3A_167 = arith.constant 0 : i32
        %dma_start3A_168 = arith.constant 0 : i32
        %dma_start3A_169 = tpu.memref_slice %arg2[%add3A_166, %dma_start3A_167, %dma_start3A_168] : memref<2560x2x128xi32, #tpu.memory_space<hbm>> -> memref<1x2x128xi32, #tpu.memory_space<hbm>>
        %dma_start3A_170 = tpu.memref_squeeze %dma_start3A_169 : memref<1x2x128xi32, #tpu.memory_space<hbm>> -> memref<2x128xi32, #tpu.memory_space<hbm>>
        %dma_start3A_171 = arith.constant 0 : i32
        %dma_start3A_172 = arith.constant 0 : i32
        %dma_start3A_173 = tpu.memref_slice %arg2[%add3A_166, %dma_start3A_171, %dma_start3A_172] : memref<2560x2x128xi32, #tpu.memory_space<hbm>> -> memref<1x2x128xi32, #tpu.memory_space<hbm>>
        %dma_start3A_174 = tpu.memref_squeeze %dma_start3A_173 : memref<1x2x128xi32, #tpu.memory_space<hbm>> -> memref<2x128xi32, #tpu.memory_space<hbm>>
        tpu.enqueue_dma source(%dma_start3A_174 : memref<2x128xi32, #tpu.memory_space<hbm>>) target(%arg5 : memref<2x128xi32, #tpu.memory_space<vmem>>) target_semaphore(%arg12 : memref<!tpu.dma_semaphore, #tpu.memory_space<semaphore_mem>>)
      } else {
      }
      %add3A_125 = arith.constant 1 : i32
      %add3A_126 = arith.addi %add3A_89, %add3A_125 : i32
      %add3A_127 = arith.constant 1 : i32
      %add3A_128 = arith.addi %add3A_126, %add3A_127 : i32
      %lt3A_129 = arith.cmpi slt, %add3A_128, %select_n3A : i32
      %convert_element_type3A_130 = arith.extui %lt3A_129 : i1 to i32
      %cond3A_131 = arith.constant 0 : i32
      %cond3A_132 = arith.cmpi ne, %convert_element_type3A_130, %cond3A_131 : i32
      scf.if %cond3A_132 {
        %dma_wait3A_164 = arith.constant 0 : i32
        %dma_wait3A_165 = arith.constant 0 : i32
        %dma_wait3A_166 = tpu.memref_slice %arg2[%select_n3A_17, %dma_wait3A_164, %dma_wait3A_165] : memref<2560x2x128xi32, #tpu.memory_space<hbm>> -> memref<1x2x128xi32, #tpu.memory_space<hbm>>
        %dma_wait3A_167 = tpu.memref_squeeze %dma_wait3A_166 : memref<1x2x128xi32, #tpu.memory_space<hbm>> -> memref<2x128xi32, #tpu.memory_space<hbm>>
        %dma_wait3A_168 = arith.constant 0 : i32
        %dma_wait3A_169 = arith.constant 0 : i32
        %dma_wait3A_170 = tpu.memref_slice %arg2[%select_n3A_17, %dma_wait3A_168, %dma_wait3A_169] : memref<2560x2x128xi32, #tpu.memory_space<hbm>> -> memref<1x2x128xi32, #tpu.memory_space<hbm>>
        %dma_wait3A_171 = tpu.memref_squeeze %dma_wait3A_170 : memref<1x2x128xi32, #tpu.memory_space<hbm>> -> memref<2x128xi32, #tpu.memory_space<hbm>>
        tpu.wait_dma2 semaphore(%arg12 : memref<!tpu.dma_semaphore, #tpu.memory_space<semaphore_mem>>) src(%dma_wait3A_171 : memref<2x128xi32, #tpu.memory_space<hbm>>) dst(%arg5 : memref<2x128xi32, #tpu.memory_space<vmem>>)
        %dma_start3A_172 = arith.constant 0 : i32
        %dma_start3A_173 = arith.constant 0 : i32
        %dma_start3A_174 = arith.constant 0 : i32
        %dma_start3A_175 = tpu.memref_slice %arg7[%dma_start3A_173, %dma_start3A_174] : memref<128x128xf32, #tpu.memory_space<vmem>> -> memref<64x128xf32, #tpu.memory_space<vmem>>
        %dma_start3A_176 = arith.constant 0 : i32
        %dma_start3A_177 = tpu.memref_slice %arg5[%dma_start3A_172, %dma_start3A_176] : memref<2x128xi32, #tpu.memory_space<vmem>> -> memref<1x128xi32, #tpu.memory_space<vmem>>
        %dma_start3A_178 = tpu.memref_squeeze %dma_start3A_177 : memref<1x128xi32, #tpu.memory_space<vmem>> -> memref<128xi32, #tpu.memory_space<vmem>>
        %dma_start3A_179 = arith.constant 0 : i32
        %dma_start3A_180 = tpu.memref_slice %dma_start3A_178[%dma_start3A_179] : memref<128xi32, #tpu.memory_space<vmem>> -> memref<64xi32, #tpu.memory_space<vmem>>
        %dma_start3A_181 = arith.constant 0 : i32
        %dma_start3A_182 = arith.constant 0 : i32
        %dma_start3A_183 = tpu.memref_slice %arg3[%dma_start3A_181, %dma_start3A_182] : memref<10000x128xf32, #tpu.memory_space<hbm>> -> memref<10000x128xf32, #tpu.memory_space<hbm>>
        tpu.enqueue_indirect_dma source(%dma_start3A_183 : memref<10000x128xf32, #tpu.memory_space<hbm>>) target(%dma_start3A_175 : memref<64x128xf32, #tpu.memory_space<vmem>>) offsets(%dma_start3A_180 : memref<64xi32, #tpu.memory_space<vmem>>) semaphore(%arg10 : memref<!tpu.dma_semaphore, #tpu.memory_space<semaphore_mem>>)
        %dma_start3A_184 = arith.constant 0 : i32
        %dma_start3A_185 = arith.constant 64 : i32
        %dma_start3A_186 = arith.constant 0 : i32
        %dma_start3A_187 = tpu.memref_slice %arg7[%dma_start3A_185, %dma_start3A_186] : memref<128x128xf32, #tpu.memory_space<vmem>> -> memref<64x128xf32, #tpu.memory_space<vmem>>
        %dma_start3A_188 = arith.constant 0 : i32
        %dma_start3A_189 = tpu.memref_slice %arg5[%dma_start3A_184, %dma_start3A_188] : memref<2x128xi32, #tpu.memory_space<vmem>> -> memref<1x128xi32, #tpu.memory_space<vmem>>
        %dma_start3A_190 = tpu.memref_squeeze %dma_start3A_189 : memref<1x128xi32, #tpu.memory_space<vmem>> -> memref<128xi32, #tpu.memory_space<vmem>>
        %dma_start3A_191 = arith.constant 64 : i32
        %dma_start3A_192 = tpu.memref_slice %dma_start3A_190[%dma_start3A_191] : memref<128xi32, #tpu.memory_space<vmem>> -> memref<64xi32, #tpu.memory_space<vmem>>
        %dma_start3A_193 = arith.constant 0 : i32
        %dma_start3A_194 = arith.constant 0 : i32
        %dma_start3A_195 = tpu.memref_slice %arg3[%dma_start3A_193, %dma_start3A_194] : memref<10000x128xf32, #tpu.memory_space<hbm>> -> memref<10000x128xf32, #tpu.memory_space<hbm>>
        tpu.enqueue_indirect_dma source(%dma_start3A_195 : memref<10000x128xf32, #tpu.memory_space<hbm>>) target(%dma_start3A_187 : memref<64x128xf32, #tpu.memory_space<vmem>>) offsets(%dma_start3A_192 : memref<64xi32, #tpu.memory_space<vmem>>) semaphore(%arg14 : memref<!tpu.dma_semaphore, #tpu.memory_space<semaphore_mem>>)
      } else {
      }
      %dma_wait3A_133 = arith.constant 0 : i32
      %dma_wait3A_134 = arith.constant 0 : i32
      %dma_wait3A_135 = arith.constant 0 : i32
      %dma_wait3A_136 = tpu.memref_slice %arg8[%dma_wait3A_134, %dma_wait3A_135] : memref<128x128xf32, #tpu.memory_space<vmem>> -> memref<64x128xf32, #tpu.memory_space<vmem>>
      %dma_wait3A_137 = arith.constant 0 : i32
      %dma_wait3A_138 = tpu.memref_slice %arg6[%dma_wait3A_133, %dma_wait3A_137] : memref<2x128xi32, #tpu.memory_space<vmem>> -> memref<1x128xi32, #tpu.memory_space<vmem>>
      %dma_wait3A_139 = tpu.memref_squeeze %dma_wait3A_138 : memref<1x128xi32, #tpu.memory_space<vmem>> -> memref<128xi32, #tpu.memory_space<vmem>>
      %dma_wait3A_140 = arith.constant 0 : i32
      %dma_wait3A_141 = tpu.memref_slice %dma_wait3A_139[%dma_wait3A_140] : memref<128xi32, #tpu.memory_space<vmem>> -> memref<64xi32, #tpu.memory_space<vmem>>
      %dma_wait3A_142 = arith.constant 0 : i32
      %dma_wait3A_143 = arith.constant 0 : i32
      %dma_wait3A_144 = tpu.memref_slice %arg3[%dma_wait3A_142, %dma_wait3A_143] : memref<10000x128xf32, #tpu.memory_space<hbm>> -> memref<10000x128xf32, #tpu.memory_space<hbm>>
      tpu.wait_indirect_dma semaphore(%arg11 : memref<!tpu.dma_semaphore, #tpu.memory_space<semaphore_mem>>) src(%dma_wait3A_144 : memref<10000x128xf32, #tpu.memory_space<hbm>>) dst(%dma_wait3A_136 : memref<64x128xf32, #tpu.memory_space<vmem>>)
      %dma_wait3A_145 = arith.constant 0 : i32
      %dma_wait3A_146 = arith.constant 64 : i32
      %dma_wait3A_147 = arith.constant 0 : i32
      %dma_wait3A_148 = tpu.memref_slice %arg8[%dma_wait3A_146, %dma_wait3A_147] : memref<128x128xf32, #tpu.memory_space<vmem>> -> memref<64x128xf32, #tpu.memory_space<vmem>>
      %dma_wait3A_149 = arith.constant 0 : i32
      %dma_wait3A_150 = tpu.memref_slice %arg6[%dma_wait3A_145, %dma_wait3A_149] : memref<2x128xi32, #tpu.memory_space<vmem>> -> memref<1x128xi32, #tpu.memory_space<vmem>>
      %dma_wait3A_151 = tpu.memref_squeeze %dma_wait3A_150 : memref<1x128xi32, #tpu.memory_space<vmem>> -> memref<128xi32, #tpu.memory_space<vmem>>
      %dma_wait3A_152 = arith.constant 64 : i32
      %dma_wait3A_153 = tpu.memref_slice %dma_wait3A_151[%dma_wait3A_152] : memref<128xi32, #tpu.memory_space<vmem>> -> memref<64xi32, #tpu.memory_space<vmem>>
      %dma_wait3A_154 = arith.constant 0 : i32
      %dma_wait3A_155 = arith.constant 0 : i32
      %dma_wait3A_156 = tpu.memref_slice %arg3[%dma_wait3A_154, %dma_wait3A_155] : memref<10000x128xf32, #tpu.memory_space<hbm>> -> memref<10000x128xf32, #tpu.memory_space<hbm>>
      tpu.wait_indirect_dma semaphore(%arg15 : memref<!tpu.dma_semaphore, #tpu.memory_space<semaphore_mem>>) src(%dma_wait3A_156 : memref<10000x128xf32, #tpu.memory_space<hbm>>) dst(%dma_wait3A_148 : memref<64x128xf32, #tpu.memory_space<vmem>>)
      %run_scoped3A_157 = arith.constant 1 : i32
      "tpu.region"() ({
        %run_scoped3A_164 = tpu.sem_alloc : memref<!tpu.dma_semaphore, #tpu.memory_space<semaphore_mem>>
        %dma_start3A_165 = arith.constant 0 : i32
        %dma_start3A_166 = tpu.memref_slice %arg6[%run_scoped3A_157, %dma_start3A_165] : memref<2x128xi32, #tpu.memory_space<vmem>> -> memref<1x128xi32, #tpu.memory_space<vmem>>
        %dma_start3A_167 = tpu.memref_squeeze %dma_start3A_166 : memref<1x128xi32, #tpu.memory_space<vmem>> -> memref<128xi32, #tpu.memory_space<vmem>>
        %dma_start3A_168 = arith.constant 0 : i32
        %dma_start3A_169 = arith.constant 0 : i32
        %dma_start3A_170 = tpu.memref_slice %arg9[%dma_start3A_168, %dma_start3A_169] : memref<10112x128xf32, #tpu.memory_space<vmem_shared>> -> memref<10112x128xf32, #tpu.memory_space<vmem_shared>>
        tpu.enqueue_indirect_dma source(%arg8 : memref<128x128xf32, #tpu.memory_space<vmem>>) target(%dma_start3A_170 : memref<10112x128xf32, #tpu.memory_space<vmem_shared>>) offsets(%dma_start3A_167 : memref<128xi32, #tpu.memory_space<vmem>>) semaphore(%run_scoped3A_164 : memref<!tpu.dma_semaphore, #tpu.memory_space<semaphore_mem>>) {add = true}
        %dma_wait3A_171 = arith.constant 0 : i32
        %dma_wait3A_172 = tpu.memref_slice %arg6[%run_scoped3A_157, %dma_wait3A_171] : memref<2x128xi32, #tpu.memory_space<vmem>> -> memref<1x128xi32, #tpu.memory_space<vmem>>
        %dma_wait3A_173 = tpu.memref_squeeze %dma_wait3A_172 : memref<1x128xi32, #tpu.memory_space<vmem>> -> memref<128xi32, #tpu.memory_space<vmem>>
        %dma_wait3A_174 = arith.constant 0 : i32
        %dma_wait3A_175 = arith.constant 0 : i32
        %dma_wait3A_176 = tpu.memref_slice %arg9[%dma_wait3A_174, %dma_wait3A_175] : memref<10112x128xf32, #tpu.memory_space<vmem_shared>> -> memref<10112x128xf32, #tpu.memory_space<vmem_shared>>
        tpu.wait_indirect_dma semaphore(%run_scoped3A_164 : memref<!tpu.dma_semaphore, #tpu.memory_space<semaphore_mem>>) src(%arg8 : memref<128x128xf32, #tpu.memory_space<vmem>>) dst(%dma_wait3A_176 : memref<10112x128xf32, #tpu.memory_space<vmem_shared>>)
        tpu.yield
      }) : () -> ()
      %add3A_158 = arith.constant 2 : i32
      %add3A_159 = arith.addi %add3A_126, %add3A_158 : i32
      %lt3A_160 = arith.cmpi slt, %add3A_159, %select_n3A : i32
      %convert_element_type3A_161 = arith.extui %lt3A_160 : i1 to i32
      %cond3A_162 = arith.constant 0 : i32
      %cond3A_163 = arith.cmpi ne, %convert_element_type3A_161, %cond3A_162 : i32
      scf.if %cond3A_163 {
        %add3A_164 = arith.addi %select_n3A_17, %add3A_126 : i32
        %add3A_165 = arith.constant 2 : i32
        %add3A_166 = arith.addi %add3A_164, %add3A_165 : i32
        %dma_start3A_167 = arith.constant 0 : i32
        %dma_start3A_168 = arith.constant 0 : i32
        %dma_start3A_169 = tpu.memref_slice %arg2[%add3A_166, %dma_start3A_167, %dma_start3A_168] : memref<2560x2x128xi32, #tpu.memory_space<hbm>> -> memref<1x2x128xi32, #tpu.memory_space<hbm>>
        %dma_start3A_170 = tpu.memref_squeeze %dma_start3A_169 : memref<1x2x128xi32, #tpu.memory_space<hbm>> -> memref<2x128xi32, #tpu.memory_space<hbm>>
        %dma_start3A_171 = arith.constant 0 : i32
        %dma_start3A_172 = arith.constant 0 : i32
        %dma_start3A_173 = tpu.memref_slice %arg2[%add3A_166, %dma_start3A_171, %dma_start3A_172] : memref<2560x2x128xi32, #tpu.memory_space<hbm>> -> memref<1x2x128xi32, #tpu.memory_space<hbm>>
        %dma_start3A_174 = tpu.memref_squeeze %dma_start3A_173 : memref<1x2x128xi32, #tpu.memory_space<hbm>> -> memref<2x128xi32, #tpu.memory_space<hbm>>
        tpu.enqueue_dma source(%dma_start3A_174 : memref<2x128xi32, #tpu.memory_space<hbm>>) target(%arg6 : memref<2x128xi32, #tpu.memory_space<vmem>>) target_semaphore(%arg13 : memref<!tpu.dma_semaphore, #tpu.memory_space<semaphore_mem>>)
      } else {
      }
    }
    %while3A_81 = arith.constant 1 : i32
    scf.for %while3A_87 = %while3A_79 to %while3A_75 step %while3A_81  : i32 {
      %mul3A_88 = arith.muli %while3A_87, %while3A : i32
      %add3A_89 = arith.addi %while3A_72, %mul3A_88 : i32
      %add3A_90 = arith.constant 0 : i32
      %add3A_91 = arith.addi %add3A_89, %add3A_90 : i32
      %add3A_92 = arith.constant 1 : i32
      %add3A_93 = arith.addi %add3A_91, %add3A_92 : i32
      %lt3A = arith.cmpi slt, %add3A_93, %select_n3A : i32
      %convert_element_type3A = arith.extui %lt3A : i1 to i32
      %cond3A = arith.constant 0 : i32
      %cond3A_94 = arith.cmpi ne, %convert_element_type3A, %cond3A : i32
      scf.if %cond3A_94 {
        %dma_wait3A_164 = arith.constant 0 : i32
        %dma_wait3A_165 = arith.constant 0 : i32
        %dma_wait3A_166 = tpu.memref_slice %arg2[%select_n3A_17, %dma_wait3A_164, %dma_wait3A_165] : memref<2560x2x128xi32, #tpu.memory_space<hbm>> -> memref<1x2x128xi32, #tpu.memory_space<hbm>>
        %dma_wait3A_167 = tpu.memref_squeeze %dma_wait3A_166 : memref<1x2x128xi32, #tpu.memory_space<hbm>> -> memref<2x128xi32, #tpu.memory_space<hbm>>
        %dma_wait3A_168 = arith.constant 0 : i32
        %dma_wait3A_169 = arith.constant 0 : i32
        %dma_wait3A_170 = tpu.memref_slice %arg2[%select_n3A_17, %dma_wait3A_168, %dma_wait3A_169] : memref<2560x2x128xi32, #tpu.memory_space<hbm>> -> memref<1x2x128xi32, #tpu.memory_space<hbm>>
        %dma_wait3A_171 = tpu.memref_squeeze %dma_wait3A_170 : memref<1x2x128xi32, #tpu.memory_space<hbm>> -> memref<2x128xi32, #tpu.memory_space<hbm>>
        tpu.wait_dma2 semaphore(%arg13 : memref<!tpu.dma_semaphore, #tpu.memory_space<semaphore_mem>>) src(%dma_wait3A_171 : memref<2x128xi32, #tpu.memory_space<hbm>>) dst(%arg6 : memref<2x128xi32, #tpu.memory_space<vmem>>)
        %dma_start3A_172 = arith.constant 0 : i32
        %dma_start3A_173 = arith.constant 0 : i32
        %dma_start3A_174 = arith.constant 0 : i32
        %dma_start3A_175 = tpu.memref_slice %arg8[%dma_start3A_173, %dma_start3A_174] : memref<128x128xf32, #tpu.memory_space<vmem>> -> memref<64x128xf32, #tpu.memory_space<vmem>>
        %dma_start3A_176 = arith.constant 0 : i32
        %dma_start3A_177 = tpu.memref_slice %arg6[%dma_start3A_172, %dma_start3A_176] : memref<2x128xi32, #tpu.memory_space<vmem>> -> memref<1x128xi32, #tpu.memory_space<vmem>>
        %dma_start3A_178 = tpu.memref_squeeze %dma_start3A_177 : memref<1x128xi32, #tpu.memory_space<vmem>> -> memref<128xi32, #tpu.memory_space<vmem>>
        %dma_start3A_179 = arith.constant 0 : i32
        %dma_start3A_180 = tpu.memref_slice %dma_start3A_178[%dma_start3A_179] : memref<128xi32, #tpu.memory_space<vmem>> -> memref<64xi32, #tpu.memory_space<vmem>>
        %dma_start3A_181 = arith.constant 0 : i32
        %dma_start3A_182 = arith.constant 0 : i32
        %dma_start3A_183 = tpu.memref_slice %arg3[%dma_start3A_181, %dma_start3A_182] : memref<10000x128xf32, #tpu.memory_space<hbm>> -> memref<10000x128xf32, #tpu.memory_space<hbm>>
        tpu.enqueue_indirect_dma source(%dma_start3A_183 : memref<10000x128xf32, #tpu.memory_space<hbm>>) target(%dma_start3A_175 : memref<64x128xf32, #tpu.memory_space<vmem>>) offsets(%dma_start3A_180 : memref<64xi32, #tpu.memory_space<vmem>>) semaphore(%arg11 : memref<!tpu.dma_semaphore, #tpu.memory_space<semaphore_mem>>)
        %dma_start3A_184 = arith.constant 0 : i32
        %dma_start3A_185 = arith.constant 64 : i32
        %dma_start3A_186 = arith.constant 0 : i32
        %dma_start3A_187 = tpu.memref_slice %arg8[%dma_start3A_185, %dma_start3A_186] : memref<128x128xf32, #tpu.memory_space<vmem>> -> memref<64x128xf32, #tpu.memory_space<vmem>>
        %dma_start3A_188 = arith.constant 0 : i32
        %dma_start3A_189 = tpu.memref_slice %arg6[%dma_start3A_184, %dma_start3A_188] : memref<2x128xi32, #tpu.memory_space<vmem>> -> memref<1x128xi32, #tpu.memory_space<vmem>>
        %dma_start3A_190 = tpu.memref_squeeze %dma_start3A_189 : memref<1x128xi32, #tpu.memory_space<vmem>> -> memref<128xi32, #tpu.memory_space<vmem>>
        %dma_start3A_191 = arith.constant 64 : i32
        %dma_start3A_192 = tpu.memref_slice %dma_start3A_190[%dma_start3A_191] : memref<128xi32, #tpu.memory_space<vmem>> -> memref<64xi32, #tpu.memory_space<vmem>>
        %dma_start3A_193 = arith.constant 0 : i32
        %dma_start3A_194 = arith.constant 0 : i32
        %dma_start3A_195 = tpu.memref_slice %arg3[%dma_start3A_193, %dma_start3A_194] : memref<10000x128xf32, #tpu.memory_space<hbm>> -> memref<10000x128xf32, #tpu.memory_space<hbm>>
        tpu.enqueue_indirect_dma source(%dma_start3A_195 : memref<10000x128xf32, #tpu.memory_space<hbm>>) target(%dma_start3A_187 : memref<64x128xf32, #tpu.memory_space<vmem>>) offsets(%dma_start3A_192 : memref<64xi32, #tpu.memory_space<vmem>>) semaphore(%arg15 : memref<!tpu.dma_semaphore, #tpu.memory_space<semaphore_mem>>)
      } else {
      }
      %dma_wait3A_95 = arith.constant 0 : i32
      %dma_wait3A_96 = arith.constant 0 : i32
      %dma_wait3A_97 = arith.constant 0 : i32
      %dma_wait3A_98 = tpu.memref_slice %arg7[%dma_wait3A_96, %dma_wait3A_97] : memref<128x128xf32, #tpu.memory_space<vmem>> -> memref<64x128xf32, #tpu.memory_space<vmem>>
      %dma_wait3A_99 = arith.constant 0 : i32
      %dma_wait3A_100 = tpu.memref_slice %arg5[%dma_wait3A_95, %dma_wait3A_99] : memref<2x128xi32, #tpu.memory_space<vmem>> -> memref<1x128xi32, #tpu.memory_space<vmem>>
      %dma_wait3A_101 = tpu.memref_squeeze %dma_wait3A_100 : memref<1x128xi32, #tpu.memory_space<vmem>> -> memref<128xi32, #tpu.memory_space<vmem>>
      %dma_wait3A_102 = arith.constant 0 : i32
      %dma_wait3A_103 = tpu.memref_slice %dma_wait3A_101[%dma_wait3A_102] : memref<128xi32, #tpu.memory_space<vmem>> -> memref<64xi32, #tpu.memory_space<vmem>>
      %dma_wait3A_104 = arith.constant 0 : i32
      %dma_wait3A_105 = arith.constant 0 : i32
      %dma_wait3A_106 = tpu.memref_slice %arg3[%dma_wait3A_104, %dma_wait3A_105] : memref<10000x128xf32, #tpu.memory_space<hbm>> -> memref<10000x128xf32, #tpu.memory_space<hbm>>
      tpu.wait_indirect_dma semaphore(%arg10 : memref<!tpu.dma_semaphore, #tpu.memory_space<semaphore_mem>>) src(%dma_wait3A_106 : memref<10000x128xf32, #tpu.memory_space<hbm>>) dst(%dma_wait3A_98 : memref<64x128xf32, #tpu.memory_space<vmem>>)
      %dma_wait3A_107 = arith.constant 0 : i32
      %dma_wait3A_108 = arith.constant 64 : i32
      %dma_wait3A_109 = arith.constant 0 : i32
      %dma_wait3A_110 = tpu.memref_slice %arg7[%dma_wait3A_108, %dma_wait3A_109] : memref<128x128xf32, #tpu.memory_space<vmem>> -> memref<64x128xf32, #tpu.memory_space<vmem>>
      %dma_wait3A_111 = arith.constant 0 : i32
      %dma_wait3A_112 = tpu.memref_slice %arg5[%dma_wait3A_107, %dma_wait3A_111] : memref<2x128xi32, #tpu.memory_space<vmem>> -> memref<1x128xi32, #tpu.memory_space<vmem>>
      %dma_wait3A_113 = tpu.memref_squeeze %dma_wait3A_112 : memref<1x128xi32, #tpu.memory_space<vmem>> -> memref<128xi32, #tpu.memory_space<vmem>>
      %dma_wait3A_114 = arith.constant 64 : i32
      %dma_wait3A_115 = tpu.memref_slice %dma_wait3A_113[%dma_wait3A_114] : memref<128xi32, #tpu.memory_space<vmem>> -> memref<64xi32, #tpu.memory_space<vmem>>
      %dma_wait3A_116 = arith.constant 0 : i32
      %dma_wait3A_117 = arith.constant 0 : i32
      %dma_wait3A_118 = tpu.memref_slice %arg3[%dma_wait3A_116, %dma_wait3A_117] : memref<10000x128xf32, #tpu.memory_space<hbm>> -> memref<10000x128xf32, #tpu.memory_space<hbm>>
      tpu.wait_indirect_dma semaphore(%arg14 : memref<!tpu.dma_semaphore, #tpu.memory_space<semaphore_mem>>) src(%dma_wait3A_118 : memref<10000x128xf32, #tpu.memory_space<hbm>>) dst(%dma_wait3A_110 : memref<64x128xf32, #tpu.memory_space<vmem>>)
      %run_scoped3A = arith.constant 1 : i32
      "tpu.region"() ({
        %run_scoped3A_164 = tpu.sem_alloc : memref<!tpu.dma_semaphore, #tpu.memory_space<semaphore_mem>>
        %dma_start3A_165 = arith.constant 0 : i32
        %dma_start3A_166 = tpu.memref_slice %arg5[%run_scoped3A, %dma_start3A_165] : memref<2x128xi32, #tpu.memory_space<vmem>> -> memref<1x128xi32, #tpu.memory_space<vmem>>
        %dma_start3A_167 = tpu.memref_squeeze %dma_start3A_166 : memref<1x128xi32, #tpu.memory_space<vmem>> -> memref<128xi32, #tpu.memory_space<vmem>>
        %dma_start3A_168 = arith.constant 0 : i32
        %dma_start3A_169 = arith.constant 0 : i32
        %dma_start3A_170 = tpu.memref_slice %arg9[%dma_start3A_168, %dma_start3A_169] : memref<10112x128xf32, #tpu.memory_space<vmem_shared>> -> memref<10112x128xf32, #tpu.memory_space<vmem_shared>>
        tpu.enqueue_indirect_dma source(%arg7 : memref<128x128xf32, #tpu.memory_space<vmem>>) target(%dma_start3A_170 : memref<10112x128xf32, #tpu.memory_space<vmem_shared>>) offsets(%dma_start3A_167 : memref<128xi32, #tpu.memory_space<vmem>>) semaphore(%run_scoped3A_164 : memref<!tpu.dma_semaphore, #tpu.memory_space<semaphore_mem>>) {add = true}
        %dma_wait3A_171 = arith.constant 0 : i32
        %dma_wait3A_172 = tpu.memref_slice %arg5[%run_scoped3A, %dma_wait3A_171] : memref<2x128xi32, #tpu.memory_space<vmem>> -> memref<1x128xi32, #tpu.memory_space<vmem>>
        %dma_wait3A_173 = tpu.memref_squeeze %dma_wait3A_172 : memref<1x128xi32, #tpu.memory_space<vmem>> -> memref<128xi32, #tpu.memory_space<vmem>>
        %dma_wait3A_174 = arith.constant 0 : i32
        %dma_wait3A_175 = arith.constant 0 : i32
        %dma_wait3A_176 = tpu.memref_slice %arg9[%dma_wait3A_174, %dma_wait3A_175] : memref<10112x128xf32, #tpu.memory_space<vmem_shared>> -> memref<10112x128xf32, #tpu.memory_space<vmem_shared>>
        tpu.wait_indirect_dma semaphore(%run_scoped3A_164 : memref<!tpu.dma_semaphore, #tpu.memory_space<semaphore_mem>>) src(%arg7 : memref<128x128xf32, #tpu.memory_space<vmem>>) dst(%dma_wait3A_176 : memref<10112x128xf32, #tpu.memory_space<vmem_shared>>)
        tpu.yield
      }) : () -> ()
      %add3A_119 = arith.constant 2 : i32
      %add3A_120 = arith.addi %add3A_91, %add3A_119 : i32
      %lt3A_121 = arith.cmpi slt, %add3A_120, %select_n3A : i32
      %convert_element_type3A_122 = arith.extui %lt3A_121 : i1 to i32
      %cond3A_123 = arith.constant 0 : i32
      %cond3A_124 = arith.cmpi ne, %convert_element_type3A_122, %cond3A_123 : i32
      scf.if %cond3A_124 {
        %add3A_164 = arith.addi %select_n3A_17, %add3A_91 : i32
        %add3A_165 = arith.constant 2 : i32
        %add3A_166 = arith.addi %add3A_164, %add3A_165 : i32
        %dma_start3A_167 = arith.constant 0 : i32
        %dma_start3A_168 = arith.constant 0 : i32
        %dma_start3A_169 = tpu.memref_slice %arg2[%add3A_166, %dma_start3A_167, %dma_start3A_168] : memref<2560x2x128xi32, #tpu.memory_space<hbm>> -> memref<1x2x128xi32, #tpu.memory_space<hbm>>
        %dma_start3A_170 = tpu.memref_squeeze %dma_start3A_169 : memref<1x2x128xi32, #tpu.memory_space<hbm>> -> memref<2x128xi32, #tpu.memory_space<hbm>>
        %dma_start3A_171 = arith.constant 0 : i32
        %dma_start3A_172 = arith.constant 0 : i32
        %dma_start3A_173 = tpu.memref_slice %arg2[%add3A_166, %dma_start3A_171, %dma_start3A_172] : memref<2560x2x128xi32, #tpu.memory_space<hbm>> -> memref<1x2x128xi32, #tpu.memory_space<hbm>>
        %dma_start3A_174 = tpu.memref_squeeze %dma_start3A_173 : memref<1x2x128xi32, #tpu.memory_space<hbm>> -> memref<2x128xi32, #tpu.memory_space<hbm>>
        tpu.enqueue_dma source(%dma_start3A_174 : memref<2x128xi32, #tpu.memory_space<hbm>>) target(%arg5 : memref<2x128xi32, #tpu.memory_space<vmem>>) target_semaphore(%arg12 : memref<!tpu.dma_semaphore, #tpu.memory_space<semaphore_mem>>)
      } else {
      }
      %add3A_125 = arith.constant 1 : i32
      %add3A_126 = arith.addi %add3A_89, %add3A_125 : i32
      %add3A_127 = arith.constant 1 : i32
      %add3A_128 = arith.addi %add3A_126, %add3A_127 : i32
      %lt3A_129 = arith.cmpi slt, %add3A_128, %select_n3A : i32
      %convert_element_type3A_130 = arith.extui %lt3A_129 : i1 to i32
      %cond3A_131 = arith.constant 0 : i32
      %cond3A_132 = arith.cmpi ne, %convert_element_type3A_130, %cond3A_131 : i32
      scf.if %cond3A_132 {
        %dma_wait3A_164 = arith.constant 0 : i32
        %dma_wait3A_165 = arith.constant 0 : i32
        %dma_wait3A_166 = tpu.memref_slice %arg2[%select_n3A_17, %dma_wait3A_164, %dma_wait3A_165] : memref<2560x2x128xi32, #tpu.memory_space<hbm>> -> memref<1x2x128xi32, #tpu.memory_space<hbm>>
        %dma_wait3A_167 = tpu.memref_squeeze %dma_wait3A_166 : memref<1x2x128xi32, #tpu.memory_space<hbm>> -> memref<2x128xi32, #tpu.memory_space<hbm>>
        %dma_wait3A_168 = arith.constant 0 : i32
        %dma_wait3A_169 = arith.constant 0 : i32
        %dma_wait3A_170 = tpu.memref_slice %arg2[%select_n3A_17, %dma_wait3A_168, %dma_wait3A_169] : memref<2560x2x128xi32, #tpu.memory_space<hbm>> -> memref<1x2x128xi32, #tpu.memory_space<hbm>>
        %dma_wait3A_171 = tpu.memref_squeeze %dma_wait3A_170 : memref<1x2x128xi32, #tpu.memory_space<hbm>> -> memref<2x128xi32, #tpu.memory_space<hbm>>
        tpu.wait_dma2 semaphore(%arg12 : memref<!tpu.dma_semaphore, #tpu.memory_space<semaphore_mem>>) src(%dma_wait3A_171 : memref<2x128xi32, #tpu.memory_space<hbm>>) dst(%arg5 : memref<2x128xi32, #tpu.memory_space<vmem>>)
        %dma_start3A_172 = arith.constant 0 : i32
        %dma_start3A_173 = arith.constant 0 : i32
        %dma_start3A_174 = arith.constant 0 : i32
        %dma_start3A_175 = tpu.memref_slice %arg7[%dma_start3A_173, %dma_start3A_174] : memref<128x128xf32, #tpu.memory_space<vmem>> -> memref<64x128xf32, #tpu.memory_space<vmem>>
        %dma_start3A_176 = arith.constant 0 : i32
        %dma_start3A_177 = tpu.memref_slice %arg5[%dma_start3A_172, %dma_start3A_176] : memref<2x128xi32, #tpu.memory_space<vmem>> -> memref<1x128xi32, #tpu.memory_space<vmem>>
        %dma_start3A_178 = tpu.memref_squeeze %dma_start3A_177 : memref<1x128xi32, #tpu.memory_space<vmem>> -> memref<128xi32, #tpu.memory_space<vmem>>
        %dma_start3A_179 = arith.constant 0 : i32
        %dma_start3A_180 = tpu.memref_slice %dma_start3A_178[%dma_start3A_179] : memref<128xi32, #tpu.memory_space<vmem>> -> memref<64xi32, #tpu.memory_space<vmem>>
        %dma_start3A_181 = arith.constant 0 : i32
        %dma_start3A_182 = arith.constant 0 : i32
        %dma_start3A_183 = tpu.memref_slice %arg3[%dma_start3A_181, %dma_start3A_182] : memref<10000x128xf32, #tpu.memory_space<hbm>> -> memref<10000x128xf32, #tpu.memory_space<hbm>>
        tpu.enqueue_indirect_dma source(%dma_start3A_183 : memref<10000x128xf32, #tpu.memory_space<hbm>>) target(%dma_start3A_175 : memref<64x128xf32, #tpu.memory_space<vmem>>) offsets(%dma_start3A_180 : memref<64xi32, #tpu.memory_space<vmem>>) semaphore(%arg10 : memref<!tpu.dma_semaphore, #tpu.memory_space<semaphore_mem>>)
        %dma_start3A_184 = arith.constant 0 : i32
        %dma_start3A_185 = arith.constant 64 : i32
        %dma_start3A_186 = arith.constant 0 : i32
        %dma_start3A_187 = tpu.memref_slice %arg7[%dma_start3A_185, %dma_start3A_186] : memref<128x128xf32, #tpu.memory_space<vmem>> -> memref<64x128xf32, #tpu.memory_space<vmem>>
        %dma_start3A_188 = arith.constant 0 : i32
        %dma_start3A_189 = tpu.memref_slice %arg5[%dma_start3A_184, %dma_start3A_188] : memref<2x128xi32, #tpu.memory_space<vmem>> -> memref<1x128xi32, #tpu.memory_space<vmem>>
        %dma_start3A_190 = tpu.memref_squeeze %dma_start3A_189 : memref<1x128xi32, #tpu.memory_space<vmem>> -> memref<128xi32, #tpu.memory_space<vmem>>
        %dma_start3A_191 = arith.constant 64 : i32
        %dma_start3A_192 = tpu.memref_slice %dma_start3A_190[%dma_start3A_191] : memref<128xi32, #tpu.memory_space<vmem>> -> memref<64xi32, #tpu.memory_space<vmem>>
        %dma_start3A_193 = arith.constant 0 : i32
        %dma_start3A_194 = arith.constant 0 : i32
        %dma_start3A_195 = tpu.memref_slice %arg3[%dma_start3A_193, %dma_start3A_194] : memref<10000x128xf32, #tpu.memory_space<hbm>> -> memref<10000x128xf32, #tpu.memory_space<hbm>>
        tpu.enqueue_indirect_dma source(%dma_start3A_195 : memref<10000x128xf32, #tpu.memory_space<hbm>>) target(%dma_start3A_187 : memref<64x128xf32, #tpu.memory_space<vmem>>) offsets(%dma_start3A_192 : memref<64xi32, #tpu.memory_space<vmem>>) semaphore(%arg14 : memref<!tpu.dma_semaphore, #tpu.memory_space<semaphore_mem>>)
      } else {
      }
      %dma_wait3A_133 = arith.constant 0 : i32
      %dma_wait3A_134 = arith.constant 0 : i32
      %dma_wait3A_135 = arith.constant 0 : i32
      %dma_wait3A_136 = tpu.memref_slice %arg8[%dma_wait3A_134, %dma_wait3A_135] : memref<128x128xf32, #tpu.memory_space<vmem>> -> memref<64x128xf32, #tpu.memory_space<vmem>>
      %dma_wait3A_137 = arith.constant 0 : i32
      %dma_wait3A_138 = tpu.memref_slice %arg6[%dma_wait3A_133, %dma_wait3A_137] : memref<2x128xi32, #tpu.memory_space<vmem>> -> memref<1x128xi32, #tpu.memory_space<vmem>>
      %dma_wait3A_139 = tpu.memref_squeeze %dma_wait3A_138 : memref<1x128xi32, #tpu.memory_space<vmem>> -> memref<128xi32, #tpu.memory_space<vmem>>
      %dma_wait3A_140 = arith.constant 0 : i32
      %dma_wait3A_141 = tpu.memref_slice %dma_wait3A_139[%dma_wait3A_140] : memref<128xi32, #tpu.memory_space<vmem>> -> memref<64xi32, #tpu.memory_space<vmem>>
      %dma_wait3A_142 = arith.constant 0 : i32
      %dma_wait3A_143 = arith.constant 0 : i32
      %dma_wait3A_144 = tpu.memref_slice %arg3[%dma_wait3A_142, %dma_wait3A_143] : memref<10000x128xf32, #tpu.memory_space<hbm>> -> memref<10000x128xf32, #tpu.memory_space<hbm>>
      tpu.wait_indirect_dma semaphore(%arg11 : memref<!tpu.dma_semaphore, #tpu.memory_space<semaphore_mem>>) src(%dma_wait3A_144 : memref<10000x128xf32, #tpu.memory_space<hbm>>) dst(%dma_wait3A_136 : memref<64x128xf32, #tpu.memory_space<vmem>>)
      %dma_wait3A_145 = arith.constant 0 : i32
      %dma_wait3A_146 = arith.constant 64 : i32
      %dma_wait3A_147 = arith.constant 0 : i32
      %dma_wait3A_148 = tpu.memref_slice %arg8[%dma_wait3A_146, %dma_wait3A_147] : memref<128x128xf32, #tpu.memory_space<vmem>> -> memref<64x128xf32, #tpu.memory_space<vmem>>
      %dma_wait3A_149 = arith.constant 0 : i32
      %dma_wait3A_150 = tpu.memref_slice %arg6[%dma_wait3A_145, %dma_wait3A_149] : memref<2x128xi32, #tpu.memory_space<vmem>> -> memref<1x128xi32, #tpu.memory_space<vmem>>
      %dma_wait3A_151 = tpu.memref_squeeze %dma_wait3A_150 : memref<1x128xi32, #tpu.memory_space<vmem>> -> memref<128xi32, #tpu.memory_space<vmem>>
      %dma_wait3A_152 = arith.constant 64 : i32
      %dma_wait3A_153 = tpu.memref_slice %dma_wait3A_151[%dma_wait3A_152] : memref<128xi32, #tpu.memory_space<vmem>> -> memref<64xi32, #tpu.memory_space<vmem>>
      %dma_wait3A_154 = arith.constant 0 : i32
      %dma_wait3A_155 = arith.constant 0 : i32
      %dma_wait3A_156 = tpu.memref_slice %arg3[%dma_wait3A_154, %dma_wait3A_155] : memref<10000x128xf32, #tpu.memory_space<hbm>> -> memref<10000x128xf32, #tpu.memory_space<hbm>>
      tpu.wait_indirect_dma semaphore(%arg15 : memref<!tpu.dma_semaphore, #tpu.memory_space<semaphore_mem>>) src(%dma_wait3A_156 : memref<10000x128xf32, #tpu.memory_space<hbm>>) dst(%dma_wait3A_148 : memref<64x128xf32, #tpu.memory_space<vmem>>)
      %run_scoped3A_157 = arith.constant 1 : i32
      "tpu.region"() ({
        %run_scoped3A_164 = tpu.sem_alloc : memref<!tpu.dma_semaphore, #tpu.memory_space<semaphore_mem>>
        %dma_start3A_165 = arith.constant 0 : i32
        %dma_start3A_166 = tpu.memref_slice %arg6[%run_scoped3A_157, %dma_start3A_165] : memref<2x128xi32, #tpu.memory_space<vmem>> -> memref<1x128xi32, #tpu.memory_space<vmem>>
        %dma_start3A_167 = tpu.memref_squeeze %dma_start3A_166 : memref<1x128xi32, #tpu.memory_space<vmem>> -> memref<128xi32, #tpu.memory_space<vmem>>
        %dma_start3A_168 = arith.constant 0 : i32
        %dma_start3A_169 = arith.constant 0 : i32
        %dma_start3A_170 = tpu.memref_slice %arg9[%dma_start3A_168, %dma_start3A_169] : memref<10112x128xf32, #tpu.memory_space<vmem_shared>> -> memref<10112x128xf32, #tpu.memory_space<vmem_shared>>
        tpu.enqueue_indirect_dma source(%arg8 : memref<128x128xf32, #tpu.memory_space<vmem>>) target(%dma_start3A_170 : memref<10112x128xf32, #tpu.memory_space<vmem_shared>>) offsets(%dma_start3A_167 : memref<128xi32, #tpu.memory_space<vmem>>) semaphore(%run_scoped3A_164 : memref<!tpu.dma_semaphore, #tpu.memory_space<semaphore_mem>>) {add = true}
        %dma_wait3A_171 = arith.constant 0 : i32
        %dma_wait3A_172 = tpu.memref_slice %arg6[%run_scoped3A_157, %dma_wait3A_171] : memref<2x128xi32, #tpu.memory_space<vmem>> -> memref<1x128xi32, #tpu.memory_space<vmem>>
        %dma_wait3A_173 = tpu.memref_squeeze %dma_wait3A_172 : memref<1x128xi32, #tpu.memory_space<vmem>> -> memref<128xi32, #tpu.memory_space<vmem>>
        %dma_wait3A_174 = arith.constant 0 : i32
        %dma_wait3A_175 = arith.constant 0 : i32
        %dma_wait3A_176 = tpu.memref_slice %arg9[%dma_wait3A_174, %dma_wait3A_175] : memref<10112x128xf32, #tpu.memory_space<vmem_shared>> -> memref<10112x128xf32, #tpu.memory_space<vmem_shared>>
        tpu.wait_indirect_dma semaphore(%run_scoped3A_164 : memref<!tpu.dma_semaphore, #tpu.memory_space<semaphore_mem>>) src(%arg8 : memref<128x128xf32, #tpu.memory_space<vmem>>) dst(%dma_wait3A_176 : memref<10112x128xf32, #tpu.memory_space<vmem_shared>>)
        tpu.yield
      }) : () -> ()
      %add3A_158 = arith.constant 2 : i32
      %add3A_159 = arith.addi %add3A_126, %add3A_158 : i32
      %lt3A_160 = arith.cmpi slt, %add3A_159, %select_n3A : i32
      %convert_element_type3A_161 = arith.extui %lt3A_160 : i1 to i32
      %cond3A_162 = arith.constant 0 : i32
      %cond3A_163 = arith.cmpi ne, %convert_element_type3A_161, %cond3A_162 : i32
      scf.if %cond3A_163 {
        %add3A_164 = arith.addi %select_n3A_17, %add3A_126 : i32
        %add3A_165 = arith.constant 2 : i32
        %add3A_166 = arith.addi %add3A_164, %add3A_165 : i32
        %dma_start3A_167 = arith.constant 0 : i32
        %dma_start3A_168 = arith.constant 0 : i32
        %dma_start3A_169 = tpu.memref_slice %arg2[%add3A_166, %dma_start3A_167, %dma_start3A_168] : memref<2560x2x128xi32, #tpu.memory_space<hbm>> -> memref<1x2x128xi32, #tpu.memory_space<hbm>>
        %dma_start3A_170 = tpu.memref_squeeze %dma_start3A_169 : memref<1x2x128xi32, #tpu.memory_space<hbm>> -> memref<2x128xi32, #tpu.memory_space<hbm>>
        %dma_start3A_171 = arith.constant 0 : i32
        %dma_start3A_172 = arith.constant 0 : i32
        %dma_start3A_173 = tpu.memref_slice %arg2[%add3A_166, %dma_start3A_171, %dma_start3A_172] : memref<2560x2x128xi32, #tpu.memory_space<hbm>> -> memref<1x2x128xi32, #tpu.memory_space<hbm>>
        %dma_start3A_174 = tpu.memref_squeeze %dma_start3A_173 : memref<1x2x128xi32, #tpu.memory_space<hbm>> -> memref<2x128xi32, #tpu.memory_space<hbm>>
        tpu.enqueue_dma source(%dma_start3A_174 : memref<2x128xi32, #tpu.memory_space<hbm>>) target(%arg6 : memref<2x128xi32, #tpu.memory_space<vmem>>) target_semaphore(%arg13 : memref<!tpu.dma_semaphore, #tpu.memory_space<semaphore_mem>>)
      } else {
      }
    }
    %barrier3A_82 = arith.constant 0 : index
    tpu.barrier barrier_id(%barrier3A_82)
    %mul3A_83 = arith.constant 632 : i32
    %mul3A_84 = arith.muli %arg1, %mul3A_83 : i32
    %mul3A_85 = arith.constant 632 : i32
    %mul3A_86 = arith.muli %arg1, %mul3A_85 : i32
    "tpu.region"() ({
      %run_scoped3A = tpu.sem_alloc : memref<!tpu.dma_semaphore, #tpu.memory_space<semaphore_mem>>
      %dma_start3A_87 = arith.constant 0 : i32
      %dma_start3A_88 = arith.constant 0 : i32
      %dma_start3A_89 = tpu.memref_slice %arg4[%arg0, %dma_start3A_87, %dma_start3A_88] : memref<2x10112x128xf32, #tpu.memory_space<hbm>> -> memref<1x10112x128xf32, #tpu.memory_space<hbm>>
      %dma_start3A_90 = tpu.memref_squeeze %dma_start3A_89 : memref<1x10112x128xf32, #tpu.memory_space<hbm>> -> memref<10112x128xf32, #tpu.memory_space<hbm>>
      %dma_start3A_91 = arith.constant 0 : i32
      %dma_start3A_92 = tpu.memref_slice %dma_start3A_90[%mul3A_86, %dma_start3A_91] : memref<10112x128xf32, #tpu.memory_space<hbm>> -> memref<632x128xf32, #tpu.memory_space<hbm>>
      %dma_start3A_93 = arith.constant 0 : i32
      %dma_start3A_94 = tpu.memref_slice %arg9[%mul3A_84, %dma_start3A_93] : memref<10112x128xf32, #tpu.memory_space<vmem_shared>> -> memref<632x128xf32, #tpu.memory_space<vmem_shared>>
      tpu.enqueue_dma source(%dma_start3A_94 : memref<632x128xf32, #tpu.memory_space<vmem_shared>>) target(%dma_start3A_92 : memref<632x128xf32, #tpu.memory_space<hbm>>) target_semaphore(%run_scoped3A : memref<!tpu.dma_semaphore, #tpu.memory_space<semaphore_mem>>)
      %dma_wait3A_95 = arith.constant 0 : i32
      %dma_wait3A_96 = arith.constant 0 : i32
      %dma_wait3A_97 = tpu.memref_slice %arg4[%arg0, %dma_wait3A_95, %dma_wait3A_96] : memref<2x10112x128xf32, #tpu.memory_space<hbm>> -> memref<1x10112x128xf32, #tpu.memory_space<hbm>>
      %dma_wait3A_98 = tpu.memref_squeeze %dma_wait3A_97 : memref<1x10112x128xf32, #tpu.memory_space<hbm>> -> memref<10112x128xf32, #tpu.memory_space<hbm>>
      %dma_wait3A_99 = arith.constant 0 : i32
      %dma_wait3A_100 = tpu.memref_slice %dma_wait3A_98[%mul3A_86, %dma_wait3A_99] : memref<10112x128xf32, #tpu.memory_space<hbm>> -> memref<632x128xf32, #tpu.memory_space<hbm>>
      %dma_wait3A_101 = arith.constant 0 : i32
      %dma_wait3A_102 = tpu.memref_slice %arg9[%mul3A_84, %dma_wait3A_101] : memref<10112x128xf32, #tpu.memory_space<vmem_shared>> -> memref<632x128xf32, #tpu.memory_space<vmem_shared>>
      tpu.wait_dma2 semaphore(%run_scoped3A : memref<!tpu.dma_semaphore, #tpu.memory_space<semaphore_mem>>) src(%dma_wait3A_102 : memref<632x128xf32, #tpu.memory_space<vmem_shared>>) dst(%dma_wait3A_100 : memref<632x128xf32, #tpu.memory_space<hbm>>)
      tpu.yield
    }) : () -> ()
    return
  }
}

module attributes {stable_mosaic.version = 14 : i64} {
  func.func @_prep_body(%arg0: memref<32x10112xf32, #tpu.memory_space<vmem>>, %arg1: memref<10000x128xf32, #tpu.memory_space<vmem>>, %arg2: memref<10000x128xf32, #tpu.memory_space<vmem>>, %arg3: memref<10112x1xf32, #tpu.memory_space<vmem>>) attributes {dimension_semantics = [], scalar_prefetch = 0 : i64, scratch_operands = 0 : i64, tpu.core_type = #tpu.core_type<tc>} {
    %get3A = arith.constant 0 : index
    %get3A_0 = arith.constant 0 : index
    %get3A_1 = vector.load %arg0[%get3A, %get3A_0] : memref<32x10112xf32, #tpu.memory_space<vmem>>, vector<32x10112xf32>
    %reduce_sum3A = arith.constant dense<0.000000e+00> : vector<10112xf32>
    %reduce_sum3A_2 = vector.multi_reduction <add>, %get3A_1, %reduce_sum3A [0] : vector<32x10112xf32> to vector<10112xf32>
    %broadcast_in_dim3A = vector.shape_cast %reduce_sum3A_2 : vector<10112xf32> to vector<1x10112xf32>
    %gt3A = arith.constant 0.000000e+00 : f32
    %gt3A_3 = vector.broadcast %gt3A : f32 to vector<1x10112xf32>
    %gt3A_4 = arith.cmpf ogt, %broadcast_in_dim3A, %gt3A_3 : vector<1x10112xf32>
    %rsqrt3A = math.rsqrt %broadcast_in_dim3A : vector<1x10112xf32>
    %jit3A = arith.constant 0.000000e+00 : f32
    %broadcast_in_dim3A_5 = vector.broadcast %jit3A : f32 to vector<1x10112xf32>
    %select_n3A = arith.select %gt3A_4, %rsqrt3A, %broadcast_in_dim3A_5 : vector<1x10112xi1>, vector<1x10112xf32>
    %transpose3A = tpu.transpose %select_n3A, [1, 0] : vector<1x10112xf32> -> vector<10112x1xf32>
    %swap3A = arith.constant 0 : index
    %swap3A_6 = arith.constant 0 : index
    %swap3A_7 = vector.load %arg3[%swap3A, %swap3A_6] : memref<10112x1xf32, #tpu.memory_space<vmem>>, vector<10112x1xf32>
    tpu.vector_store %arg3[%swap3A, %swap3A_6], %transpose3A {strides = array<i32>} : memref<10112x1xf32, #tpu.memory_space<vmem>>, vector<10112x1xf32>,
    %get3A_8 = arith.constant 0 : index
    %get3A_9 = arith.constant 0 : index
    %get3A_10 = vector.load %arg1[%get3A_8, %get3A_9] : memref<10000x128xf32, #tpu.memory_space<vmem>>, vector<10000x128xf32>
    %slice3A = vector.extract_strided_slice %transpose3A {offsets = [0, 0], sizes = [10000, 1], strides = [1, 1]} : vector<10112x1xf32> to vector<10000x1xf32>
    %mul3A = vector.broadcast %slice3A : vector<10000x1xf32> to vector<10000x128xf32>
    %mul3A_11 = arith.mulf %get3A_10, %mul3A : vector<10000x128xf32>
    %swap3A_12 = arith.constant 0 : index
    %swap3A_13 = arith.constant 0 : index
    %swap3A_14 = vector.load %arg2[%swap3A_12, %swap3A_13] : memref<10000x128xf32, #tpu.memory_space<vmem>>, vector<10000x128xf32>
    tpu.vector_store %arg2[%swap3A_12, %swap3A_13], %mul3A_11 {strides = array<i32>} : memref<10000x128xf32, #tpu.memory_space<vmem>>, vector<10000x128xf32>,
    return
  }
}

module attributes {stable_mosaic.version = 14 : i64} {
  func.func @_final_body(%arg0: i32, %arg1: memref<2x1000x128xf32, #tpu.memory_space<vmem>>, %arg2: memref<1000x1xf32, #tpu.memory_space<vmem>>, %arg3: memref<1000x128xf32, #tpu.memory_space<vmem>>) attributes {dimension_semantics = [#tpu.dimension_semantics<arbitrary>], iteration_bounds = array<i64: 10>, scalar_prefetch = 0 : i64, scratch_operands = 0 : i64, tpu.core_type = #tpu.core_type<tc>, window_params = [{transform_indices = @transform_0, window_bounds = array<i64: 2, 1000, 128>}, {transform_indices = @transform_1, window_bounds = array<i64: 1000, 1>}, {transform_indices = @transform_2, window_bounds = array<i64: 1000, 128>}]} {
    %get3A = arith.constant 0 : index
    %get3A_0 = arith.constant 0 : index
    %get3A_1 = arith.constant 0 : index
    %get3A_2 = vector.load %arg1[%get3A, %get3A_0, %get3A_1] : memref<2x1000x128xf32, #tpu.memory_space<vmem>>, vector<1x1000x128xf32>
    %get3A_3 = vector.shape_cast %get3A_2 : vector<1x1000x128xf32> to vector<1000x128xf32>
    %get3A_4 = arith.constant 1 : index
    %get3A_5 = arith.constant 0 : index
    %get3A_6 = arith.constant 0 : index
    %get3A_7 = vector.load %arg1[%get3A_4, %get3A_5, %get3A_6] : memref<2x1000x128xf32, #tpu.memory_space<vmem>>, vector<1x1000x128xf32>
    %get3A_8 = vector.shape_cast %get3A_7 : vector<1x1000x128xf32> to vector<1000x128xf32>
    %add3A = arith.addf %get3A_3, %get3A_8 : vector<1000x128xf32>
    %get3A_9 = arith.constant 0 : index
    %get3A_10 = arith.constant 0 : index
    %get3A_11 = vector.load %arg2[%get3A_9, %get3A_10] : memref<1000x1xf32, #tpu.memory_space<vmem>>, vector<1000x1xf32>
    %mul3A = vector.broadcast %get3A_11 : vector<1000x1xf32> to vector<1000x128xf32>
    %mul3A_12 = arith.mulf %add3A, %mul3A : vector<1000x128xf32>
    %swap3A = arith.constant 0 : index
    %swap3A_13 = arith.constant 0 : index
    %swap3A_14 = vector.load %arg3[%swap3A, %swap3A_13] : memref<1000x128xf32, #tpu.memory_space<vmem>>, vector<1000x128xf32>
    tpu.vector_store %arg3[%swap3A, %swap3A_13], %mul3A_12 {strides = array<i32>} : memref<1000x128xf32, #tpu.memory_space<vmem>>, vector<1000x128xf32>,
    return
  }
  func.func @transform_0(%arg0: i32) -> (i32, i32, i32) {
    %c0_i32 = arith.constant 0 : i32
    %c0_i32_0 = arith.constant 0 : i32
    %c0_i32_1 = arith.constant 0 : i32
    return %c0_i32, %arg0, %c0_i32_0 : i32, i32, i32
  }
  func.func @transform_1(%arg0: i32) -> (i32, i32) {
    %c0_i32 = arith.constant 0 : i32
    %c0_i32_0 = arith.constant 0 : i32
    return %arg0, %c0_i32 : i32, i32
  }
  func.func @transform_2(%arg0: i32) -> (i32, i32) {
    %c0_i32 = arith.constant 0 : i32
    %c0_i32_0 = arith.constant 0 : i32
    return %arg0, %c0_i32 : i32, i32
  }
}

</mosaic_0001>

<sc_bundles>
// kernel: kernel.6.cloned.1.call-start
scs
__scs_entry_jumppad:
0x0: {  	(pc) =	sbr.rel $0x88, $3  }
0x1: {  	(tag) =	ssettag $0x0;
	lr =	simm.s32 $0x1  }
0x2: {  	[smem:$0x3F9F] =	sst lr;
	_ =	strace $0xD0000000  }
0x3: {  	_ = 	snop  }
0x4: {  	_ = 	snop  }
0x5: {  	_ = 	snop  }
0x6: {  	_ = 	snop  }
0x7: {  	_ = 	snop  }
__scs_overlays_trampoline_lowered:
0x8: {  	[smem:$0x3FAE] =	sst s0  }
0x9: {  	[smem:$0x3FAF] =	sst s1  }
0xa: {  	[smem:$0x3FB0] =	sst s2  }
0xb: {  	[smem:$0x3FB1] =	sst s3  }
0xc: {  	[smem:$0x3FB2] =	sst s4  }
0xd: {  	[smem:$0x3FB3] =	sst s5  }
0xe: {  	[smem:$0x3FB4] =	sst s6  }
0xf: {  	[smem:$0x3FB5] =	sst s7  }
0x10: {  	[smem:$0x3FB6] =	sst s8  }
0x11: {  	[smem:$0x3FB7] =	sst s9;
	s0 =	simm.s32 @!p0 $0x0  }
0x12: {  	s1 =	sld [smem:$0x3F9D];
	s0 =	simm.s32 @p0 $0x1  }
0x13: {  	[smem:$0x3FB8] =	sst s0;
	s0 =	simm.s32 @!p1 $0x0  }
0x14: {  	s2 =	sld [smem:$0x3F9C];
	s0 =	simm.s32 @p1 $0x1  }
0x15: {  	[smem:$0x3FB9] =	sst s0;
	s0 =	simm.s32 @!p2 $0x0  }
0x16: {  	s3 =	sld [smem:$0x3FDB];
	s0 =	simm.s32 @p2 $0x1  }
0x17: {  	s4 =	simm.s32 $0x1BF5;
	[smem:$0x3FBB] =	sst s0  }
0x18: {  	s0 =	sld [smem:$0x3F9E];
	_ =	swait.ge [sflag:s4], $0x0  }
0x19: {  	s7 =	sld [smem:$0x3F9F]  }
0x1a: {  	s8 =	sadd.s32 $0xFFFFE003, lr  }
0x1b: {  	s9 =	sadd.s32 $0xFFFFFEF7, lr;
	s5 =	simm.s32 $0xFFFFFFFF;
	p2 =	slt.u32 s8, $0xFFFFF086  }
0x1c: {  	p1 =	slt.u32 s9, $0xF7A;
	s5 =	simm.s32 @!p2 $0x0  }
0x1d: {  	s5 =	simm.s32 @p1 $0x1;
	p0 =	seq.s32 s7, s2  }
0x1e: {  	s7 =	smul.u32 @!p0 $0xF7A, s2;
	p2 =	seq.s32 @!p0 s5, $0x0  }
0x1f: {  	s9 =	smul.u32 $0xF7A, s1;
	s8 =	simm.s32 @!p0 $0x1BF5;
	p2 =	por !p2, p0  }
0x20: {  	[sflag:s8] =	ssyncset.s32 @!p0 $0xFFFFF086;
	s6 =	sadd.s32 @!p0 s3, s7;
	s7 =	simm.s32 @!p0 $0x108  }
0x21: {  	s3 =	sadd.s32 s3, s9;
	s6 =	sadd.s32 @!p0 $0x88, s6;
	s7 =	simm.s32 @p2 $0x1082  }
0x22: {  	[simem:s7], [sflag:s8] =	dma.local @!p0 [hbm:s6], $0xF7A  }
0x23: {  	s9 =	sor.u32 $0xD0000000, s2;
	s6 =	simm.s32 $0x108;
	_ =	swait.ge @!p0 [sflag:s8], $0x0  }
0x24: {  	s3 =	sadd.s32 $0x88, s3;
	s6 =	simm.s32 @!p1 $0x1082;
	[sflag:s4] =	ssyncset.s32 $0xFFFFF086  }
0x25: {  	[simem:s6], [sflag:s4] =	dma.local [hbm:s3], $0xF7A  }
0x26: {  	[smem:$0x3F9F] =	sst s1;
	(tag) =	ssettag s2;
	_ =	strace s9  }
0x27: {  	s1 =	sld [smem:$0x3FAF]  }
0x28: {  	s2 =	sld [smem:$0x3FB0]  }
0x29: {  	s4 =	sld [smem:$0x3FB2]  }
0x2a: {  	p0 =	seq.s32 s5, $0x0;
	s5 =	sld [smem:$0x3FB3]  }
0x2b: {  	s6 =	sld [smem:$0x3FB4]  }
0x2c: {  	s7 =	sld [smem:$0x3FB5]  }
0x2d: {  	s3 =	simm.s32 $0x108;
	s8 =	sld [smem:$0x3FB6]  }
0x2e: {  	s3 =	simm.s32 @!p0 $0x1082;
	s9 =	sld [smem:$0x3FB7]  }
0x2f: {  	lr =	sadd.s32 s0, s3;
	s0 =	sld [smem:$0x3FAE]  }
0x30: {  	s3 =	sld [smem:$0x3FB1]  }
0x31: {  	[smem:$0x3FBA] =	sst s10  }
0x32: {  	s10 =	sld [smem:$0x3FB8];
	_ =	sdelay $0x3  }
0x33: {  	p0 =	seq.s32 s10, $0x1;
	s10 =	sld [smem:$0x3FBA];
	_ =	sdelay $0x3  }
0x34: {  	[smem:$0x3FBA] =	sst s10  }
0x35: {  	s10 =	sld [smem:$0x3FB9];
	_ =	sdelay $0x3  }
0x36: {  	p1 =	seq.s32 s10, $0x1;
	s10 =	sld [smem:$0x3FBA];
	_ =	sdelay $0x3  }
0x37: {  	[smem:$0x3FBA] =	sst s10  }
0x38: {  	s10 =	sld [smem:$0x3FBB]  }
0x39: {  	_ = 	snop;
	(pc) =	sbr.ind lr, $3  }
0x3a: {  	_ = 	snop  }
0x3b: {  	_ = 	snop  }
0x3c: {  	p2 =	seq.s32 s10, $0x1;
	s10 =	sld [smem:$0x3FBA]  }
0x3d: {  	_ =	shalt  }
0x3e: {  	_ =	shalt  }
0x3f: {  	_ =	shalt  }
0x40: {  	_ =	shalt  }
0x41: {  	_ =	shalt  }
0x42: {  	_ =	shalt  }
0x43: {  	_ =	shalt  }
0x44: {  	_ =	shalt  }
0x45: {  	_ =	shalt  }
0x46: {  	_ =	shalt  }
0x47: {  	_ =	shalt  }
0x48: {  	_ =	shalt  }
0x49: {  	_ =	shalt  }
0x4a: {  	_ =	shalt  }
0x4b: {  	_ =	shalt  }
0x4c: {  	_ =	shalt  }
0x4d: {  	_ =	shalt  }
0x4e: {  	_ =	shalt  }
0x4f: {  	_ =	shalt  }
0x50: {  	_ =	shalt  }
0x51: {  	_ =	shalt  }
0x52: {  	_ =	shalt  }
0x53: {  	_ =	shalt  }
0x54: {  	_ =	shalt  }
0x55: {  	_ =	shalt  }
0x56: {  	_ =	shalt  }
0x57: {  	_ =	shalt  }
0x58: {  	_ =	shalt  }
0x59: {  	_ =	shalt  }
0x5a: {  	_ =	shalt  }
0x5b: {  	_ =	shalt  }
0x5c: {  	_ =	shalt  }
0x5d: {  	_ =	shalt  }
0x5e: {  	_ =	shalt  }
0x5f: {  	_ =	shalt  }
0x60: {  	_ =	shalt  }
0x61: {  	_ =	shalt  }
0x62: {  	_ =	shalt  }
0x63: {  	_ =	shalt  }
0x64: {  	_ =	shalt  }
0x65: {  	_ =	shalt  }
0x66: {  	_ =	shalt  }
0x67: {  	_ =	shalt  }
0x68: {  	_ =	shalt  }
0x69: {  	_ =	shalt  }
0x6a: {  	_ =	shalt  }
0x6b: {  	_ =	shalt  }
0x6c: {  	_ =	shalt  }
0x6d: {  	_ =	shalt  }
0x6e: {  	_ =	shalt  }
0x6f: {  	_ =	shalt  }
0x70: {  	_ =	shalt  }
0x71: {  	_ =	shalt  }
0x72: {  	_ =	shalt  }
0x73: {  	_ =	shalt  }
0x74: {  	_ =	shalt  }
0x75: {  	_ =	shalt  }
0x76: {  	_ =	shalt  }
0x77: {  	_ =	shalt  }
0x78: {  	_ =	shalt  }
0x79: {  	_ =	shalt  }
0x7a: {  	_ =	shalt  }
0x7b: {  	_ =	shalt  }
0x7c: {  	_ =	shalt  }
0x7d: {  	_ =	shalt  }
0x7e: {  	_ =	shalt  }
0x7f: {  	_ =	shalt  }
0x80: {  	_ =	shalt  }
0x81: {  	_ =	shalt  }
0x82: {  	_ =	shalt  }
0x83: {  	_ =	shalt  }
0x84: {  	_ =	shalt  }
0x85: {  	_ =	shalt  }
0x86: {  	_ =	shalt  }
0x87: {  	_ =	shalt  }
.Lfunc_end0:
.L_simem_size_0:
called_computation_lowered:
.L_overlay_start_0:
0x88: {  	s2 =	sld [smem:$0x3FD9]  }
0x89: {  	s3 =	sld [smem:$0x3FFE];
	_ =	sdelay $0x1  }
0x8a: {  	s1 =	srdreg.scid  }
0x8b: {  	s0 =	sand.u32 $0x1, s1  }
0x8c: {  	s17 =	sshll.u32 s0, $0xA;
	s2 =	sadd.s32 s3, s2  }
0x8d: {  	s2 =	sadd.s32 s2, s17  }
0x8e: {  	[smem:$0x3FC6] =	sst s2  }
0x8f: {  	_ = 	snop  }
0x90: {  	s2 =	sld [smem:$0x3FD0];
	(tm) =	ssettm $0x1  }
0x91: {  	s18 =	sld [smem:$0x3FFB];
	_ =	sdelay $0x3  }
0x92: {  	_ =	strace s18  }
0x93: {  	s3 =	sld [smem:$0x3FFC];
	_ =	sdelay $0x3  }
0x94: {  	_ =	strace s3  }
0x95: {  	s3 =	sld [smem:$0x3FFD];
	_ =	sdelay $0x3  }
0x96: {  	_ =	strace s3  }
0x97: {  	_ =	strace $0x8FFFFFFF  }
0x98: {  	s19 =	sld [smem:$0x3FDB];
	_ =	sdelay $0x1  }
0x99: {  	s4 =	simm.s32 $_scs_section_size  }
0x9a: {  	s5 =	simm.s32 $_size__tile_overlayer_lowered;
	s6 =	simm.s32 $_tile_overlayer_lowered  }
0x9b: {  	s22 =	simm.s32 $0x1BFF;
	s21 =	sshll.u32 s6, $0x1;
	s3 =	sadd.s32 s4, s19  }
0x9c: {  	s7 =	simm.s32 $0x0;
	s20 =	sshll.u32 s5, $0x1;
	s5 =	sadd.s32 s21, s3  }
0x9d: {  	[timem:s7], [sflag:s22] =	dma.local [hbm:s5], s20  }
0x9e: {  	_ =	swait.ge [sflag:s22], s20  }
0x9f: {  	s4 =	ssub.s32 $0x0, s20;
	[sflag:s22] =	ssyncset.done $0x0  }
0xa0: {  	[sflag:s22] =	ssyncadd.s32 s4;
	_ =	sdelay $0x1  }
0xa1: {  	s23 =	simm.s32 $0x1B8B  }
0xa2: {  	_ =	swait.ge [sflag:s23], $0x1  }
0xa3: {  	[sflag:s23] =	ssyncset.done $0x0  }
0xa4: {  	s25 =	simm.s32 $0x1B8E;
	s24 =	sld [smem:$0x3FFE];
	[sflag:s23] =	ssyncadd.s32 $0xFFFFFFFF  }
0xa5: {  	s26 =	simm.s32 $execute0_lowered;
	[smem:$0x3FD2] =	sst s25  }
0xa6: {  	s5 =	sshll.u32 s26, $0x1;
	_ =	strace $0x80000046;
	[dreg:$0x1] =	wrdreg $0xFFFFFFFF  }
0xa7: {  	s28 =	simm.s32 $_size_execute0_lowered;
	s3 =	sadd.s32 s3, s5;
	[dreg:$0x0] =	wrdreg $0x0  }
0xa8: {  	s5 =	sshll.u32 s28, $0x1;
	[dreg:$0x2] =	wrdreg s3  }
0xa9: {  	[dreg:$0x3] =	wrdreg s5  }
0xaa: {  	[dreg:$0x4] =	wrdreg $0xC0  }
0xab: {  	_ =	task [dreg:s7], $0x5FFFF  }
0xac: {  	[dreg:$0x1] =	wrdreg $0xFFFFFFFF  }
0xad: {  	[dreg:$0x0] =	wrdreg $0x60  }
0xae: {  	[dreg:$0x2] =	wrdreg s2  }
0xaf: {  	[dreg:$0x3] =	wrdreg s24  }
0xb0: {  	[dreg:$0x4] =	wrdreg $0x9  }
0xb1: {  	_ =	task.clear_ibuf [dreg:s7], $0x5FFFF;
	_ =	strace $0x90000046  }
0xb2: {  	s29 =	simm.s32 $0x9;
	_ =	strace $0x80000048  }
0xb3: {  	_ =	swait.ge [sflag:s29], $0x1  }
0xb4: {  	[sflag:s29] =	ssyncadd.s32 $0xFFFFFFFF  }
0xb5: {  	_ =	strace $0x90000048  }
0xb6: {  	_ =	sfence  }
0xb7: {  	s30 =	sld [smem:$0x0];
	_ =	sdelay $0x2  }
0xb8: {  	s31 =	sshll.u32 s1, $0xD;
	s1 =	sshrl.u32 s1, $0x2  }
0xb9: {  	s3 =	sand.u32 $0x4000, s31;
	s1 =	sadd.s32 s1, s30  }
0xba: {  	s0 =	sor.u32 s3, s0;
	s1 =	sshll.u32 s1, $0x11  }
0xbb: {  	s0 =	sor.u32 s1, s0  }
0xbc: {  	s0 =	sadd.s32 $0x8F2B, s0  }
0xbd: {  	[sflag:s0] =	ssyncadd.remote.s32 $0x1  }
0xbe: {  	_ =	sfence.sel $0xFFFF  }
0xbf: {  	[dreg:$0x0] =	wrdreg $0xFFFFFFFF;
	(pc) =	sbr.abs _section_cstart, $3  }
0xc0: {  	[dreg:$0x1] =	wrdreg $0xFFFFFFFF  }
0xc1: {  	_ =	task.clear_ibuf [dreg:s7], $0x2FFFF;
	_ =	strace $0x9FFFFFFF  }
0xc2: {  	(tm) =	ssettm $0x7FFFFFFF  }
0xc3: {  	_ =	shalt  }
tec
execute0_lowered:
.L_overlay_start_1:
0x0: {  	(tag) =	ssettag $0x1  }
0x1: {  	s0 =	srdreg.scid  }
0x2: {  	s3 =	sand.u32 $0x1, s0  }
0x3: {  	s0 =	stileid.u32;
	s1 =	sshll.u32 s3, $0x4  }
0x4: {  	s5 =	rddreg [dreg:$0x0];
	s4 =	sor.u32 s0, s1  }
0x5: {  	s6 =	rddreg [dreg:$0x1];
	s2 =	simm.s32 $0x0;
	s1 =	sshrl.u32 s4, $0x3  }
0x6: {  	s9 =	simm.s32 $0x400;
	s8 =	sshll.u32 s0, $0x7;
	s7 =	smul.u32 $0x13C00, s1  }
0x7: {  	s10 =	simm.s32 $0x0;
	s3 =	ssub.s32 $0x2, s3;
	s8 =	sand.u32 $0x380, s8  }
0x8: {  	[smem:$0x7FF] =	sst s2;
	s31 =	sshrl.u32 s3, $0x1;
	s7 =	sor.u32 s8, s7  }
0x9: {  	s4 =	smul.u32 $0x500, s4;
	s1 =	rddreg [dreg:$0x2];
	s7 =	sshrl.u32 s7, $0x3  }
0xa: {  	_ =	strace $0x80000047;
	s8 =	simm.s32 $0x80;
	s6 =	sadd.s32 s7, s6  }
0xb: {  	s7 =	ssub.s32 s3, s31;
	s3 =	sadd.s32 s5, s4;
	s4 =	sadd.s32 $0x1200, s6  }
0xc: {  	v0 =	vimm.f32 $0.0e+00;
	v1 =	vimm.f32 $1.000000000e+00;
	s5 =	smax.u32 s7, $0x1;
	s6 =	simm.s32 $0x1;
	s7 =	simm.s32 $0x2800  }
.LBB2_1:
0xd: {  	s11 =	simm.s32 $0x40;
	s12 =	simm.s32 $0x0  }
.LBB2_2:
0xe: {  	p0 =	sne.s32 s11, $0x9DC0;
	[tilespmem:s12+$0x2800] =	vst v0;
	s12 =	smov.u32 s11;
	s11 =	sadd.s32 $0x40, s11  }
.Ltmp0:
0xf: {  	(pc) =	sbr.rel @p0 .LBB2_2-.Ltmp0, $2  }
0x10: {  	_ =	sdelay $0x2  }
0x11: {  	s12 =	sshra.s32 s12, $0x2  }
0x12: {  	[tilespmem:s12+$0x2800] =	vst v0  }
0x13: {  	[tilespmem:s2], [sflag:$0x1] =	stream.linear.gather [hbm4b:s3+s2], $0x2800, $0x38;
	[tilespmem:$0x4F80] =	vst v63  }
0x14: {  	_ =	swait.ge [sflag:s6], $0x2800  }
0x15: {  	[sflag:s6] =	ssyncset.done $0x0  }
0x16: {  	s11 =	simm.s32 $0x1C0;
	[sflag:s6] =	ssyncadd.s32 $0xFFFFD800  }
.LBB2_4:
0x17: {  	s12 =	sshra.s32 s11, $0x2  }
0x18: {  	v2 =	vld [tilespmem:s12+$0xFFFFFF90];
	_ =	sdelay $0x7  }
0x19: {  	[tilespmem:v2+s7+$0x0] =	vst.idx.add.f32.msk $0xffff, v1  }
0x1a: {  	v2 =	vld [tilespmem:s12+$0xFFFFFFA0];
	_ =	sdelay $0x7  }
0x1b: {  	[tilespmem:v2+s7+$0x0] =	vst.idx.add.f32.msk $0xffff, v1  }
0x1c: {  	v2 =	vld [tilespmem:s12+$0xFFFFFFB0];
	_ =	sdelay $0x7  }
0x1d: {  	[tilespmem:v2+s7+$0x0] =	vst.idx.add.f32.msk $0xffff, v1  }
0x1e: {  	v2 =	vld [tilespmem:s12+$0xFFFFFFC0];
	_ =	sdelay $0x7  }
0x1f: {  	[tilespmem:v2+s7+$0x0] =	vst.idx.add.f32.msk $0xffff, v1  }
0x20: {  	v2 =	vld [tilespmem:s12+$0xFFFFFFD0];
	_ =	sdelay $0x7  }
0x21: {  	[tilespmem:v2+s7+$0x0] =	vst.idx.add.f32.msk $0xffff, v1  }
0x22: {  	v2 =	vld [tilespmem:s12+$0xFFFFFFE0];
	_ =	sdelay $0x7  }
0x23: {  	[tilespmem:v2+s7+$0x0] =	vst.idx.add.f32.msk $0xffff, v1  }
0x24: {  	v2 =	vld [tilespmem:s12+$0xFFFFFFF0];
	_ =	sdelay $0x7  }
0x25: {  	[tilespmem:v2+s7+$0x0] =	vst.idx.add.f32.msk $0xffff, v1  }
0x26: {  	v2 =	vld [tilespmem:s12+$0x0];
	_ =	sdelay $0x2  }
0x27: {  	p0 =	sne.s32 s11, $0x9FC0  }
.Ltmp1:
0x28: {  	_ = 	snop;
	(pc) =	sbr.rel @p0 .LBB2_4-.Ltmp1, $2  }
0x29: {  	_ =	sdelay $0x2  }
0x2a: {  	s11 =	sadd.s32 $0x200, s11;
	[tilespmem:v2+s7+$0x0] =	vst.idx.add.f32.msk $0xffff, v1  }
0x2b: {  	s10 =	sadd.s32 $0x1, s10  }
0x2c: {  	p0 =	sne.s32 s10, s5  }
.Ltmp2:
0x2d: {  	_ = 	snop;
	(pc) =	sbr.rel @p0 .LBB2_1-.Ltmp2, $4  }
0x2e: {  	[hbm4b:s4+s8] =	stream.strided.scatter [tilespmem:s7], [sflag:$0x1], $0x2780, s9, s8, $0x38;
	[tilespmem:$0x4F80] =	vst v63  }
0x2f: {  	_ =	swait.ge [sflag:s6], $0x2780  }
0x30: {  	[sflag:s6] =	ssyncset.done $0x0  }
0x31: {  	[sflag:s6] =	ssyncadd.s32 $0xFFFFD880  }
0x32: {  	_ =	sfence.sel $0x180000  }
0x33: {  	[bflag:$0x0] =	sbarrier.arrive $0xFFFF  }
0x34: {  	p0 =	sne.s32 s0, $0x0;
	_ =	strace $0x90000047  }
0x35: {  	s0 =	sadd.s32 @!p0 $0x100000, s1;
	[bflag:$0x2] =	sbarrier.arrive $0xFFFF  }
0x36: {  	[sflag:s0] =	ssyncadd.tile.s32 @!p0 $0x1;
	_ =	shalt  }
.Lfunc_end2:
_tile_overlayer_lowered:
.L_overlay_start_2:
0x37: {  	(tag) =	ssettag $0x2  }
0x38: {  	s0 =	rddreg [dreg:$0x0];
	s2 =	stileid.u32  }
0x39: {  	s1 =	rddreg [dreg:$0x1];
	p0 =	sne.s32 s2, $0x0  }
0x3a: {  	s3 =	rddreg [dreg:$0x2];
	[bflag:$0x3] =	sbarrier.arrive $0xFFFF;
	s2 =	simm.s32 @!p0 $0x1C01  }
0x3b: {  	[timem:s3], [sflag:s2] =	dma.local @!p0 [hbm:s0], s1  }
0x3c: {  	s0 =	simm.s32 @!p0 $0x1  }
0x3d: {  	_ =	swait.ge @!p0 [sflag:s0], s1  }
0x3e: {  	s1 =	ssub.s32 @!p0 $0x0, s1;
	[sflag:s0] =	ssyncset.done @!p0 $0x0  }
0x3f: {  	[sflag:s0] =	ssyncadd.s32 @!p0 s1  }
0x40: {  	[bflag:$0x3] =	sbarrier.arrive $0xFFFF  }
0x41: {  	_ =	shalt  }

// kernel: kernel.9.cloned.1.call-start
scs
__scs_entry_jumppad:
0x0: {  	(pc) =	sbr.rel $0x88, $3  }
0x1: {  	(tag) =	ssettag $0x0;
	lr =	simm.s32 $0x1  }
0x2: {  	[smem:$0x3F9F] =	sst lr;
	_ =	strace $0xD0000000  }
0x3: {  	_ = 	snop  }
0x4: {  	_ = 	snop  }
0x5: {  	_ = 	snop  }
0x6: {  	_ = 	snop  }
0x7: {  	_ = 	snop  }
__scs_overlays_trampoline_lowered:
0x8: {  	[smem:$0x3FAE] =	sst s0  }
0x9: {  	[smem:$0x3FAF] =	sst s1  }
0xa: {  	[smem:$0x3FB0] =	sst s2  }
0xb: {  	[smem:$0x3FB1] =	sst s3  }
0xc: {  	[smem:$0x3FB2] =	sst s4  }
0xd: {  	[smem:$0x3FB3] =	sst s5  }
0xe: {  	[smem:$0x3FB4] =	sst s6  }
0xf: {  	[smem:$0x3FB5] =	sst s7  }
0x10: {  	[smem:$0x3FB6] =	sst s8  }
0x11: {  	[smem:$0x3FB7] =	sst s9;
	s0 =	simm.s32 @!p0 $0x0  }
0x12: {  	s1 =	sld [smem:$0x3F9D];
	s0 =	simm.s32 @p0 $0x1  }
0x13: {  	[smem:$0x3FB8] =	sst s0;
	s0 =	simm.s32 @!p1 $0x0  }
0x14: {  	s2 =	sld [smem:$0x3F9C];
	s0 =	simm.s32 @p1 $0x1  }
0x15: {  	[smem:$0x3FB9] =	sst s0;
	s0 =	simm.s32 @!p2 $0x0  }
0x16: {  	s3 =	sld [smem:$0x3FDB];
	s0 =	simm.s32 @p2 $0x1  }
0x17: {  	s4 =	simm.s32 $0x1BF5;
	[smem:$0x3FBB] =	sst s0  }
0x18: {  	s0 =	sld [smem:$0x3F9E];
	_ =	swait.ge [sflag:s4], $0x0  }
0x19: {  	s7 =	sld [smem:$0x3F9F]  }
0x1a: {  	s8 =	sadd.s32 $0xFFFFE003, lr  }
0x1b: {  	s9 =	sadd.s32 $0xFFFFFEF7, lr;
	s5 =	simm.s32 $0xFFFFFFFF;
	p2 =	slt.u32 s8, $0xFFFFF086  }
0x1c: {  	p1 =	slt.u32 s9, $0xF7A;
	s5 =	simm.s32 @!p2 $0x0  }
0x1d: {  	s5 =	simm.s32 @p1 $0x1;
	p0 =	seq.s32 s7, s2  }
0x1e: {  	s7 =	smul.u32 @!p0 $0xF7A, s2;
	p2 =	seq.s32 @!p0 s5, $0x0  }
0x1f: {  	s9 =	smul.u32 $0xF7A, s1;
	s8 =	simm.s32 @!p0 $0x1BF5;
	p2 =	por !p2, p0  }
0x20: {  	[sflag:s8] =	ssyncset.s32 @!p0 $0xFFFFF086;
	s6 =	sadd.s32 @!p0 s3, s7;
	s7 =	simm.s32 @!p0 $0x108  }
0x21: {  	s3 =	sadd.s32 s3, s9;
	s6 =	sadd.s32 @!p0 $0x88, s6;
	s7 =	simm.s32 @p2 $0x1082  }
0x22: {  	[simem:s7], [sflag:s8] =	dma.local @!p0 [hbm:s6], $0xF7A  }
0x23: {  	s9 =	sor.u32 $0xD0000000, s2;
	s6 =	simm.s32 $0x108;
	_ =	swait.ge @!p0 [sflag:s8], $0x0  }
0x24: {  	s3 =	sadd.s32 $0x88, s3;
	s6 =	simm.s32 @!p1 $0x1082;
	[sflag:s4] =	ssyncset.s32 $0xFFFFF086  }
0x25: {  	[simem:s6], [sflag:s4] =	dma.local [hbm:s3], $0xF7A  }
0x26: {  	[smem:$0x3F9F] =	sst s1;
	(tag) =	ssettag s2;
	_ =	strace s9  }
0x27: {  	s1 =	sld [smem:$0x3FAF]  }
0x28: {  	s2 =	sld [smem:$0x3FB0]  }
0x29: {  	s4 =	sld [smem:$0x3FB2]  }
0x2a: {  	p0 =	seq.s32 s5, $0x0;
	s5 =	sld [smem:$0x3FB3]  }
0x2b: {  	s6 =	sld [smem:$0x3FB4]  }
0x2c: {  	s7 =	sld [smem:$0x3FB5]  }
0x2d: {  	s3 =	simm.s32 $0x108;
	s8 =	sld [smem:$0x3FB6]  }
0x2e: {  	s3 =	simm.s32 @!p0 $0x1082;
	s9 =	sld [smem:$0x3FB7]  }
0x2f: {  	lr =	sadd.s32 s0, s3;
	s0 =	sld [smem:$0x3FAE]  }
0x30: {  	s3 =	sld [smem:$0x3FB1]  }
0x31: {  	[smem:$0x3FBA] =	sst s10  }
0x32: {  	s10 =	sld [smem:$0x3FB8];
	_ =	sdelay $0x3  }
0x33: {  	p0 =	seq.s32 s10, $0x1;
	s10 =	sld [smem:$0x3FBA];
	_ =	sdelay $0x3  }
0x34: {  	[smem:$0x3FBA] =	sst s10  }
0x35: {  	s10 =	sld [smem:$0x3FB9];
	_ =	sdelay $0x3  }
0x36: {  	p1 =	seq.s32 s10, $0x1;
	s10 =	sld [smem:$0x3FBA];
	_ =	sdelay $0x3  }
0x37: {  	[smem:$0x3FBA] =	sst s10  }
0x38: {  	s10 =	sld [smem:$0x3FBB]  }
0x39: {  	_ = 	snop;
	(pc) =	sbr.ind lr, $3  }
0x3a: {  	_ = 	snop  }
0x3b: {  	_ = 	snop  }
0x3c: {  	p2 =	seq.s32 s10, $0x1;
	s10 =	sld [smem:$0x3FBA]  }
0x3d: {  	_ =	shalt  }
0x3e: {  	_ =	shalt  }
0x3f: {  	_ =	shalt  }
0x40: {  	_ =	shalt  }
0x41: {  	_ =	shalt  }
0x42: {  	_ =	shalt  }
0x43: {  	_ =	shalt  }
0x44: {  	_ =	shalt  }
0x45: {  	_ =	shalt  }
0x46: {  	_ =	shalt  }
0x47: {  	_ =	shalt  }
0x48: {  	_ =	shalt  }
0x49: {  	_ =	shalt  }
0x4a: {  	_ =	shalt  }
0x4b: {  	_ =	shalt  }
0x4c: {  	_ =	shalt  }
0x4d: {  	_ =	shalt  }
0x4e: {  	_ =	shalt  }
0x4f: {  	_ =	shalt  }
0x50: {  	_ =	shalt  }
0x51: {  	_ =	shalt  }
0x52: {  	_ =	shalt  }
0x53: {  	_ =	shalt  }
0x54: {  	_ =	shalt  }
0x55: {  	_ =	shalt  }
0x56: {  	_ =	shalt  }
0x57: {  	_ =	shalt  }
0x58: {  	_ =	shalt  }
0x59: {  	_ =	shalt  }
0x5a: {  	_ =	shalt  }
0x5b: {  	_ =	shalt  }
0x5c: {  	_ =	shalt  }
0x5d: {  	_ =	shalt  }
0x5e: {  	_ =	shalt  }
0x5f: {  	_ =	shalt  }
0x60: {  	_ =	shalt  }
0x61: {  	_ =	shalt  }
0x62: {  	_ =	shalt  }
0x63: {  	_ =	shalt  }
0x64: {  	_ =	shalt  }
0x65: {  	_ =	shalt  }
0x66: {  	_ =	shalt  }
0x67: {  	_ =	shalt  }
0x68: {  	_ =	shalt  }
0x69: {  	_ =	shalt  }
0x6a: {  	_ =	shalt  }
0x6b: {  	_ =	shalt  }
0x6c: {  	_ =	shalt  }
0x6d: {  	_ =	shalt  }
0x6e: {  	_ =	shalt  }
0x6f: {  	_ =	shalt  }
0x70: {  	_ =	shalt  }
0x71: {  	_ =	shalt  }
0x72: {  	_ =	shalt  }
0x73: {  	_ =	shalt  }
0x74: {  	_ =	shalt  }
0x75: {  	_ =	shalt  }
0x76: {  	_ =	shalt  }
0x77: {  	_ =	shalt  }
0x78: {  	_ =	shalt  }
0x79: {  	_ =	shalt  }
0x7a: {  	_ =	shalt  }
0x7b: {  	_ =	shalt  }
0x7c: {  	_ =	shalt  }
0x7d: {  	_ =	shalt  }
0x7e: {  	_ =	shalt  }
0x7f: {  	_ =	shalt  }
0x80: {  	_ =	shalt  }
0x81: {  	_ =	shalt  }
0x82: {  	_ =	shalt  }
0x83: {  	_ =	shalt  }
0x84: {  	_ =	shalt  }
0x85: {  	_ =	shalt  }
0x86: {  	_ =	shalt  }
0x87: {  	_ =	shalt  }
.Lfunc_end0:
.L_simem_size_0:
called_computation.1_lowered:
.L_overlay_start_0:
0x88: {  	s2 =	sld [smem:$0x3FD9]  }
0x89: {  	s3 =	sld [smem:$0x3FFE];
	_ =	sdelay $0x1  }
0x8a: {  	s1 =	srdreg.scid  }
0x8b: {  	s0 =	sand.u32 $0x1, s1  }
0x8c: {  	s17 =	sshll.u32 s0, $0xA;
	s2 =	sadd.s32 s3, s2  }
0x8d: {  	s2 =	sadd.s32 s2, s17  }
0x8e: {  	[smem:$0x3FC6] =	sst s2  }
0x8f: {  	_ = 	snop  }
0x90: {  	s2 =	sld [smem:$0x3FD0];
	(tm) =	ssettm $0x1  }
0x91: {  	s18 =	sld [smem:$0x3FFB];
	_ =	sdelay $0x3  }
0x92: {  	_ =	strace s18  }
0x93: {  	s3 =	sld [smem:$0x3FFC];
	_ =	sdelay $0x3  }
0x94: {  	_ =	strace s3  }
0x95: {  	s3 =	sld [smem:$0x3FFD];
	_ =	sdelay $0x3  }
0x96: {  	_ =	strace s3  }
0x97: {  	_ =	strace $0x8FFFFFFF  }
0x98: {  	s19 =	sld [smem:$0x3FDB];
	_ =	sdelay $0x1  }
0x99: {  	s4 =	simm.s32 $_scs_section_size  }
0x9a: {  	s5 =	simm.s32 $_size__tile_overlayer_lowered;
	s6 =	simm.s32 $_tile_overlayer_lowered  }
0x9b: {  	s22 =	simm.s32 $0x1BFF;
	s21 =	sshll.u32 s6, $0x1;
	s3 =	sadd.s32 s4, s19  }
0x9c: {  	s7 =	simm.s32 $0x0;
	s20 =	sshll.u32 s5, $0x1;
	s5 =	sadd.s32 s21, s3  }
0x9d: {  	[timem:s7], [sflag:s22] =	dma.local [hbm:s5], s20  }
0x9e: {  	_ =	swait.ge [sflag:s22], s20  }
0x9f: {  	s4 =	ssub.s32 $0x0, s20;
	[sflag:s22] =	ssyncset.done $0x0  }
0xa0: {  	[sflag:s22] =	ssyncadd.s32 s4;
	_ =	sdelay $0x1  }
0xa1: {  	s23 =	simm.s32 $0x1B8B  }
0xa2: {  	_ =	swait.ge [sflag:s23], $0x1  }
0xa3: {  	[sflag:s23] =	ssyncset.done $0x0  }
0xa4: {  	s25 =	simm.s32 $0x1B8E;
	s24 =	sld [smem:$0x3FFE];
	[sflag:s23] =	ssyncadd.s32 $0xFFFFFFFF  }
0xa5: {  	s26 =	simm.s32 $execute0_lowered;
	[smem:$0x3FD2] =	sst s25  }
0xa6: {  	s5 =	sshll.u32 s26, $0x1;
	_ =	strace $0x80000049;
	[dreg:$0x1] =	wrdreg $0xFFFFFFFF  }
0xa7: {  	s28 =	simm.s32 $_size_execute0_lowered;
	s3 =	sadd.s32 s3, s5;
	[dreg:$0x0] =	wrdreg $0x0  }
0xa8: {  	s5 =	sshll.u32 s28, $0x1;
	[dreg:$0x2] =	wrdreg s3  }
0xa9: {  	[dreg:$0x3] =	wrdreg s5  }
0xaa: {  	[dreg:$0x4] =	wrdreg $0xC0  }
0xab: {  	_ =	task [dreg:s7], $0x5FFFF  }
0xac: {  	[dreg:$0x1] =	wrdreg $0xFFFFFFFF  }
0xad: {  	[dreg:$0x0] =	wrdreg $0x60  }
0xae: {  	[dreg:$0x2] =	wrdreg s24  }
0xaf: {  	[dreg:$0x3] =	wrdreg s2  }
0xb0: {  	[dreg:$0x4] =	wrdreg $0x82000  }
0xb1: {  	[dreg:$0x5] =	wrdreg $0x9  }
0xb2: {  	_ =	task.clear_ibuf [dreg:s7], $0x6FFFF;
	_ =	strace $0x90000049  }
0xb3: {  	s29 =	simm.s32 $0x9;
	_ =	strace $0x8000004B  }
0xb4: {  	_ =	swait.ge [sflag:s29], $0x1  }
0xb5: {  	[sflag:s29] =	ssyncadd.s32 $0xFFFFFFFF  }
0xb6: {  	_ =	strace $0x9000004B  }
0xb7: {  	_ =	sfence  }
0xb8: {  	s30 =	sld [smem:$0x0];
	_ =	sdelay $0x2  }
0xb9: {  	s31 =	sshll.u32 s1, $0xD;
	s1 =	sshrl.u32 s1, $0x2  }
0xba: {  	s3 =	sand.u32 $0x4000, s31;
	s1 =	sadd.s32 s1, s30  }
0xbb: {  	s0 =	sor.u32 s3, s0;
	s1 =	sshll.u32 s1, $0x11  }
0xbc: {  	s0 =	sor.u32 s1, s0  }
0xbd: {  	s0 =	sadd.s32 $0x8F2B, s0  }
0xbe: {  	[sflag:s0] =	ssyncadd.remote.s32 $0x1  }
0xbf: {  	_ =	sfence.sel $0xFFFF  }
0xc0: {  	[dreg:$0x0] =	wrdreg $0xFFFFFFFF;
	(pc) =	sbr.abs _section_cstart, $3  }
0xc1: {  	[dreg:$0x1] =	wrdreg $0xFFFFFFFF  }
0xc2: {  	_ =	task.clear_ibuf [dreg:s7], $0x2FFFF;
	_ =	strace $0x9FFFFFFF  }
0xc3: {  	(tm) =	ssettm $0x7FFFFFFF  }
tec
execute0_lowered:
.L_overlay_start_1:
0x0: {  	(tag) =	ssettag $0x1  }
0x1: {  	s0 =	rddreg [dreg:$0x0]  }
0x2: {  	s2 =	rddreg [dreg:$0x1]  }
0x3: {  	s3 =	rddreg [dreg:$0x2]  }
0x4: {  	s10 =	stileid.u32;
	s1 =	srdreg.scid;
	s4 =	simm.s32 $0x0  }
0x5: {  	s28 =	simm.s32 $0x5;
	s29 =	simm.s32 $0x80;
	s5 =	smul.u32 $0xC, s10  }
0x6: {  	s30 =	simm.s32 $0x2;
	s31 =	simm.s32 $0x6;
	s6 =	smul.u32 $0x94, s10  }
0x7: {  	s1 =	sand.u32 $0x1, s1;
	[smem:$0x7FF] =	sst s4;
	s8 =	smul.u32 $0x4F000, s10  }
0x8: {  	s9 =	sshll.u32 s10, $0xE;
	s17 =	smul.u32 $0x2780, s10;
	p0 =	seq.s32 s1, $0x0  }
0x9: {  	s18 =	smul.u32 $0x27800, s1;
	_ =	strace $0x8000004A;
	s9 =	sadd.s32 s9, s3  }
0xa: {  	s1 =	ssub.s32 $0x2, s1;
	s5 =	sadd.s32 $0x940, s5;
	s23 =	sadd.s32 $0x40000, s9  }
0xb: {  	s19 =	sshrl.u32 s1, $0x1;
	s24 =	sadd.s32 $0x80000, s9;
	[dreg:$0x7] =	wrdreg s23  }
0xc: {  	s8 =	sshrl.u32 s8, $0x2;
	s25 =	sadd.s32 $0xC0000, s9;
	[dreg:$0x8] =	wrdreg s24  }
0xd: {  	s26 =	sadd.s32 $0x100000, s9;
	s5 =	smov.u32 @p0 s6;
	[dreg:$0x9] =	wrdreg s25  }
0xe: {  	s1 =	ssub.s32 s1, s19;
	s8 =	sadd.s32 s8, s3;
	[dreg:$0xa] =	wrdreg s26  }
0xf: {  	s19 =	simm.s32 $0x7;
	s26 =	simm.s32 $0x1;
	s5 =	sshll.u32 s5, $0x5  }
0x10: {  	s1 =	smax.u32 s1, $0x1;
	s25 =	sshrl.u32 s8, $0x3;
	s7 =	sadd.s32 s5, s0  }
0x11: {  	s0 =	sadd.s32 s18, s0;
	s5 =	simm.s32 $0x94;
	[dreg:$0x6] =	wrdreg s1  }
0x12: {  	s18 =	simm.s32 $0x200;
	s5 =	simm.s32 @!p0 $0xC;
	s20 =	sadd.s32 $0xB000, s7  }
0x13: {  	s21 =	sadd.s32 $0xB020, s7;
	s0 =	sadd.s32 $0x1F000, s0;
	[dreg:$0x4] =	wrdreg s20  }
0x14: {  	s24 =	sadd.s32 $0xB040, s7;
	p0 =	seq.s32 s10, $0xF;
	[dreg:$0x5] =	wrdreg s21  }
0x15: {  	s22 =	sshrl.u32 s5, $0x1;
	s14 =	sadd.s32 $0xFFFFFFFE, s5;
	s15 =	sadd.s32 $0xFFFFFFFD, s5  }
0x16: {  	s21 =	simm.s32 $0x3;
	s23 =	sadd.s32 s17, s0;
	s0 =	simm.s32 $0x180  }
0x17: {  	v0 =	vimm.f32 $0.0e+00;
	s20 =	simm.s32 $0x4200;
	s16 =	sadd.s32 $0xFFFFFFFF, s22;
	s22 =	simm.s32 $0x40  }
.LBB2_1:
0x18: {  	s1 =	simm.s32 $0x0;
	s6 =	simm.s32 $0x200  }
.LBB2_2:
0x19: {  	p1 =	sne.s32 s6, $0xFE00;
	[tilespmem:s1+$0x270] =	vst v0  }
0x1a: {  	[tilespmem:s1+$0x200] =	vst v0  }
0x1b: {  	[tilespmem:s1+$0x210] =	vst v0  }
.Ltmp0:
0x1c: {  	[tilespmem:s1+$0x220] =	vst v0;
	(pc) =	sbr.rel @p1 .LBB2_2-.Ltmp0, $4  }
0x1d: {  	[tilespmem:s1+$0x230] =	vst v0  }
0x1e: {  	[tilespmem:s1+$0x240] =	vst v0  }
0x1f: {  	[tilespmem:s1+$0x250] =	vst v0  }
0x20: {  	[tilespmem:s1+$0x260] =	vst v0;
	s1 =	sshra.s32 s6, $0x2;
	s6 =	sadd.s32 $0x200, s6  }
0x21: {  	[tilespmem:s1+$0x270] =	vst v0  }
0x22: {  	[tilespmem:s1+$0x200] =	vst v0  }
0x23: {  	[tilespmem:s1+$0x210] =	vst v0  }
0x24: {  	[tilespmem:s1+$0x220] =	vst v0  }
0x25: {  	[tilespmem:s1+$0x230] =	vst v0  }
0x26: {  	[tilespmem:s1+$0x240] =	vst v0  }
0x27: {  	[tilespmem:s1+$0x250] =	vst v0  }
0x28: {  	[tilespmem:s1+$0x260] =	vst v0  }
0x29: {  	[spmem:s9] =	stream.linear.scatter [tilespmem:s18], [sflag:$0x7], $0x4000, $0x38;
	[tilespmem:$0x1BE00] =	vst v63  }
0x2a: {  	_ =	swait.ge [sflag:s19], $0x4000  }
0x2b: {  	[sflag:s19] =	ssyncset.done $0x0  }
0x2c: {  	s8 =	rddreg [dreg:$0x7];
	[sflag:s19] =	ssyncadd.s32 $0xFFFFC000  }
0x2d: {  	[spmem:s8] =	stream.linear.scatter [tilespmem:s18], [sflag:$0x7], $0x4000, $0x38;
	[tilespmem:$0x1BE00] =	vst v63  }
0x2e: {  	_ =	swait.ge [sflag:s19], $0x4000  }
0x2f: {  	[sflag:s19] =	ssyncset.done $0x0  }
0x30: {  	s10 =	rddreg [dreg:$0x8];
	[sflag:s19] =	ssyncadd.s32 $0xFFFFC000  }
0x31: {  	[spmem:s10] =	stream.linear.scatter [tilespmem:s18], [sflag:$0x7], $0x4000, $0x38;
	[tilespmem:$0x1BE00] =	vst v63  }
0x32: {  	_ =	swait.ge [sflag:s19], $0x4000  }
0x33: {  	[sflag:s19] =	ssyncset.done $0x0  }
0x34: {  	s11 =	rddreg [dreg:$0x9];
	[sflag:s19] =	ssyncadd.s32 $0xFFFFC000  }
0x35: {  	[spmem:s11] =	stream.linear.scatter [tilespmem:s18], [sflag:$0x7], $0x4000, $0x38;
	[tilespmem:$0x1BE00] =	vst v63  }
0x36: {  	_ =	swait.ge [sflag:s19], $0x4000  }
0x37: {  	[sflag:s19] =	ssyncset.done $0x0  }
0x38: {  	s1 =	simm.s32 @!p0 $0x200;
	s6 =	rddreg [dreg:$0xa];
	[sflag:s19] =	ssyncadd.s32 $0xFFFFC000  }
0x39: {  	[spmem:s6] =	stream.linear.scatter @!p0 [tilespmem:s1], [sflag:$0x7], $0x4000, $0x38;
	[tilespmem:$0x1BE00] =	vst v63  }
0x3a: {  	s1 =	simm.s32 @!p0 $0x7  }
0x3b: {  	_ =	swait.ge @!p0 [sflag:s1], $0x4000  }
0x3c: {  	[sflag:s1] =	ssyncset.done @!p0 $0x0  }
0x3d: {  	s12 =	rddreg [dreg:$0x4];
	[sflag:s1] =	ssyncadd.s32 @!p0 $0xFFFFC000;
	s1 =	simm.s32 $0x0  }
0x3e: {  	[tilespmem:s1], [sflag:$0x3] =	stream.linear.gather [hbm4b:s12+s1], $0x100, $0x38;
	[tilespmem:$0x1BE00] =	vst v63  }
0x3f: {  	s7 =	simm.s32 $0x100;
	s13 =	rddreg [dreg:$0x5]  }
0x40: {  	[tilespmem:s7], [sflag:$0x4] =	stream.linear.gather [hbm4b:s13+s1], $0x100, $0x38;
	[tilespmem:$0x1BE00] =	vst v63  }
0x41: {  	s6 =	sadd.s32 $0xFFFFFFFF, s16;
	[bflag:$0x0] =	sbarrier.arrive $0xFFFF  }
0x42: {  	p2 =	sne.s32 s6, $0x0;
	_ =	swait.ge [sflag:s21], $0x100  }
.Ltmp1:
0x43: {  	[sflag:s21] =	ssyncset.done $0x0;
	(pc) =	sbr.rel @!p2 .LBB2_4-.Ltmp1, $4  }
0x44: {  	[sflag:s21] =	ssyncadd.s32 $0xFFFFFF00  }
0x45: {  	[tilespmem:s18], [sflag:$0x1] =	stream.indirect.gather [hbm4b:s2+s22], $0x80, s1, s22, $0xb8;
	[tilespmem:$0x1BE00] =	vst v63  }
0x46: {  	s17 =	simm.s32 $0x2200;
	p3 =	sle.u32 s5, $0x1;
	p1 =	por $0x0, $0x0  }
0x47: {  	[tilespmem:s17], [sflag:$0x5] =	stream.indirect.gather [hbm4b:s2+s22], $0x80, s22, s22, $0xb8;
	[tilespmem:$0x1BE00] =	vst v63  }
0x48: {  	s1 =	simm.s32 @!p3 $0x4  }
0x49: {  	_ =	swait.ge @!p3 [sflag:s1], $0x100  }
0x4a: {  	s7 =	simm.s32 @!p3 $0x4200;
	[sflag:s1] =	ssyncset.done @!p3 $0x0  }
0x4b: {  	s8 =	simm.s32 @!p3 $0x40;
	s17 =	simm.s32 @!p3 $0x100;
	[sflag:s1] =	ssyncadd.s32 @!p3 $0xFFFFFF00  }
0x4c: {  	[tilespmem:s7], [sflag:$0x2] =	stream.indirect.gather @!p3 [hbm4b:s2+s8], $0x80, s17, s8, $0xb8;
	[tilespmem:$0x1BE00] =	vst v63  }
0x4d: {  	s1 =	simm.s32 @!p3 $0x140;
	s7 =	simm.s32 @!p3 $0x6200  }
0x4e: {  	[tilespmem:s7], [sflag:$0x6] =	stream.indirect.gather @!p3 [hbm4b:s2+s8], $0x80, s1, s8, $0xb8;
	[tilespmem:$0x1BE00] =	vst v63  }
0x4f: {  	_ =	swait.ge [sflag:s26], $0x2000  }
0x50: {  	[sflag:s26] =	ssyncset.done $0x0  }
0x51: {  	[sflag:s26] =	ssyncadd.s32 $0xFFFFE000  }
0x52: {  	_ =	swait.ge [sflag:s28], $0x2000  }
0x53: {  	[sflag:s28] =	ssyncset.done $0x0  }
0x54: {  	[sflag:s28] =	ssyncadd.s32 $0xFFFFE000  }
0x55: {  	[spmem:s3] =	stream.indirect.scatter.add.f32 [tilespmem:s18], [sflag:$0x7], $0x80, s29, s29, $0xb8;
	[tilespmem:$0x1BE00] =	vst v63  }
0x56: {  	_ =	swait.ge [sflag:s19], $0x4000  }
0x57: {  	p1 =	sle.u32 s14, $0x0;
	[sflag:s19] =	ssyncset.done $0x0  }
0x58: {  	s1 =	simm.s32 @!p1 $0x0;
	s7 =	simm.s32 @!p1 $0x3;
	[sflag:s19] =	ssyncadd.s32 $0xFFFFC000  }
0x59: {  	[tilespmem:s1], [sflag:$0x3] =	stream.linear.gather @!p1 [hbm4b:s24+s1], $0x100, $0x38;
	[tilespmem:$0x1BE00] =	vst v63  }
0x5a: {  	_ =	swait.ge @!p1 [sflag:s7], $0x100  }
0x5b: {  	[sflag:s7] =	ssyncset.done @!p1 $0x0  }
0x5c: {  	s17 =	simm.s32 @!p1 $0x200;
	s8 =	simm.s32 @!p1 $0x40;
	[sflag:s7] =	ssyncadd.s32 @!p1 $0xFFFFFF00  }
0x5d: {  	[tilespmem:s17], [sflag:$0x1] =	stream.indirect.gather @!p1 [hbm4b:s2+s8], $0x80, s1, s8, $0xb8;
	[tilespmem:$0x1BE00] =	vst v63  }
0x5e: {  	s1 =	simm.s32 @!p1 $0x2200  }
0x5f: {  	[tilespmem:s1], [sflag:$0x5] =	stream.indirect.gather @!p1 [hbm4b:s2+s8], $0x80, s8, s8, $0xb8;
	[tilespmem:$0x1BE00] =	vst v63  }
0x60: {  	_ =	swait.ge [sflag:s30], $0x2000  }
0x61: {  	s6 =	sadd.s32 $0xFFFFFFFF, s6;
	[sflag:s30] =	ssyncset.done $0x0  }
0x62: {  	p2 =	sne.s32 s6, $0x0;
	[sflag:s30] =	ssyncadd.s32 $0xFFFFE000  }
.Ltmp2:
0x63: {  	_ =	swait.ge [sflag:s31], $0x2000;
	(pc) =	sbr.rel @!p2 .LBB2_7-.Ltmp2, $4  }
0x64: {  	p4 =	sle.u32 s15, $0x0;
	p3 =	sle.u32 s5, $0x3;
	[sflag:s31] =	ssyncset.done $0x0  }
0x65: {  	s7 =	sadd.s32 @!p4 $0x20, s24;
	s17 =	sadd.s32 $0x40, s24;
	[sflag:s31] =	ssyncadd.s32 $0xFFFFE000  }
0x66: {  	[spmem:s3] =	stream.indirect.scatter.add.f32 [tilespmem:s20], [sflag:$0x7], $0x80, s0, s29, $0xb8;
	[tilespmem:$0x1BE00] =	vst v63  }
0x67: {  	s1 =	simm.s32 $0x2;
	p1 =	por $0x1, $0x1;
	_ =	swait.ge [sflag:s19], $0x4000  }
.LBB2_6:
0x68: {  	s8 =	simm.s32 @!p3 $0x4;
	[sflag:s19] =	ssyncset.done $0x0;
	s10 =	simm.s32 @!p4 $0x100  }
0x69: {  	s6 =	sadd.s32 $0xFFFFFFFF, s6;
	s11 =	simm.s32 @!p4 $0x0;
	[sflag:s19] =	ssyncadd.s32 $0xFFFFC000  }
0x6a: {  	[tilespmem:s10], [sflag:$0x4] =	stream.linear.gather @!p4 [hbm4b:s7+s11], $0x100, $0x38;
	[tilespmem:$0x1BE00] =	vst v63  }
0x6b: {  	p2 =	sne.s32 s6, $0x0;
	s10 =	simm.s32 @!p3 $0x4200;
	_ =	swait.ge @!p3 [sflag:s8], $0x100  }
0x6c: {  	s12 =	simm.s32 @!p3 $0x100;
	s11 =	simm.s32 @!p3 $0x40;
	[sflag:s8] =	ssyncset.done @!p3 $0x0  }
0x6d: {  	s7 =	smov.u32 s17;
	[sflag:s8] =	ssyncadd.s32 @!p3 $0xFFFFFF00;
	s8 =	smov.u32 s1  }
0x6e: {  	[tilespmem:s10], [sflag:$0x2] =	stream.indirect.gather @!p3 [hbm4b:s2+s11], $0x80, s12, s11, $0xb8;
	[tilespmem:$0x1BE00] =	vst v63  }
0x6f: {  	s10 =	simm.s32 @!p3 $0x140;
	s12 =	simm.s32 @!p3 $0x6200  }
0x70: {  	[tilespmem:s12], [sflag:$0x6] =	stream.indirect.gather @!p3 [hbm4b:s2+s11], $0x80, s10, s11, $0xb8;
	[tilespmem:$0x1BE00] =	vst v63  }
0x71: {  	_ =	swait.ge [sflag:s26], $0x2000  }
0x72: {  	[sflag:s26] =	ssyncset.done $0x0  }
0x73: {  	[sflag:s26] =	ssyncadd.s32 $0xFFFFE000  }
0x74: {  	_ =	swait.ge [sflag:s28], $0x2000  }
0x75: {  	[sflag:s28] =	ssyncset.done $0x0  }
0x76: {  	[sflag:s28] =	ssyncadd.s32 $0xFFFFE000  }
0x77: {  	[spmem:s3] =	stream.indirect.scatter.add.f32 [tilespmem:s18], [sflag:$0x7], $0x80, s29, s29, $0xb8;
	[tilespmem:$0x1BE00] =	vst v63  }
0x78: {  	p3 =	sge.u32 s1, s14;
	_ =	swait.ge [sflag:s19], $0x4000  }
0x79: {  	s10 =	simm.s32 @!p3 $0x0;
	s11 =	simm.s32 @!p3 $0x3;
	[sflag:s19] =	ssyncset.done $0x0  }
0x7a: {  	[sflag:s19] =	ssyncadd.s32 $0xFFFFC000  }
0x7b: {  	[tilespmem:s10], [sflag:$0x3] =	stream.linear.gather @!p3 [hbm4b:s17+s10], $0x100, $0x38;
	[tilespmem:$0x1BE00] =	vst v63  }
0x7c: {  	_ =	swait.ge @!p3 [sflag:s11], $0x100  }
0x7d: {  	s12 =	simm.s32 @!p3 $0x40;
	s13 =	simm.s32 @!p3 $0x200;
	[sflag:s11] =	ssyncset.done @!p3 $0x0  }
0x7e: {  	[sflag:s11] =	ssyncadd.s32 @!p3 $0xFFFFFF00  }
0x7f: {  	[tilespmem:s13], [sflag:$0x1] =	stream.indirect.gather @!p3 [hbm4b:s2+s12], $0x80, s10, s12, $0xb8;
	[tilespmem:$0x1BE00] =	vst v63  }
0x80: {  	s10 =	simm.s32 @!p3 $0x2200  }
0x81: {  	[tilespmem:s10], [sflag:$0x5] =	stream.indirect.gather @!p3 [hbm4b:s2+s12], $0x80, s12, s12, $0xb8;
	[tilespmem:$0x1BE00] =	vst v63  }
0x82: {  	_ =	swait.ge [sflag:s30], $0x2000  }
0x83: {  	[sflag:s30] =	ssyncset.done $0x0  }
0x84: {  	[sflag:s30] =	ssyncadd.s32 $0xFFFFE000  }
.Ltmp3:
0x85: {  	_ =	swait.ge [sflag:s31], $0x2000;
	(pc) =	sbr.rel @p2 .LBB2_6-.Ltmp3, $4  }
0x86: {  	s1 =	sadd.s32 $0x2, s1;
	s17 =	sadd.s32 $0x40, s17;
	[sflag:s31] =	ssyncset.done $0x0  }
0x87: {  	p4 =	sge.u32 s8, s15;
	s10 =	sadd.s32 $0x1, s1;
	[sflag:s31] =	ssyncadd.s32 $0xFFFFE000  }
0x88: {  	[spmem:s3] =	stream.indirect.scatter.add.f32 [tilespmem:s20], [sflag:$0x7], $0x80, s0, s29, $0xb8;
	[tilespmem:$0x1BE00] =	vst v63  }
0x89: {  	s7 =	sadd.s32 @!p4 $0x20, s7;
	p3 =	sge.u32 s10, s5;
	_ =	swait.ge [sflag:s19], $0x4000  }
.LBB2_7:
0x8a: {  	s6 =	simm.s32 @!p3 $0x4;
	[sflag:s19] =	ssyncset.done @p1 $0x0;
	p2 =	por p4, !p1  }
0x8b: {  	s8 =	simm.s32 @!p2 $0x100;
	[sflag:s19] =	ssyncadd.s32 @p1 $0xFFFFC000;
	s10 =	simm.s32 @!p2 $0x0  }
0x8c: {  	[tilespmem:s8], [sflag:$0x4] =	stream.linear.gather @!p2 [hbm4b:s7+s10], $0x100, $0x38;
	[tilespmem:$0x1BE00] =	vst v63  }
0x8d: {  	_ =	swait.ge @!p3 [sflag:s6], $0x100  }
0x8e: {  	s7 =	simm.s32 @!p3 $0x4200;
	[sflag:s6] =	ssyncset.done @!p3 $0x0  }
0x8f: {  	s8 =	simm.s32 @!p3 $0x40;
	s10 =	simm.s32 @!p3 $0x100;
	[sflag:s6] =	ssyncadd.s32 @!p3 $0xFFFFFF00  }
0x90: {  	[tilespmem:s7], [sflag:$0x2] =	stream.indirect.gather @!p3 [hbm4b:s2+s8], $0x80, s10, s8, $0xb8;
	[tilespmem:$0x1BE00] =	vst v63  }
0x91: {  	s6 =	simm.s32 @!p3 $0x140;
	s7 =	simm.s32 @!p3 $0x6200  }
0x92: {  	[tilespmem:s7], [sflag:$0x6] =	stream.indirect.gather @!p3 [hbm4b:s2+s8], $0x80, s6, s8, $0xb8;
	[tilespmem:$0x1BE00] =	vst v63  }
0x93: {  	_ =	swait.ge [sflag:s26], $0x2000  }
0x94: {  	[sflag:s26] =	ssyncset.done $0x0  }
0x95: {  	[sflag:s26] =	ssyncadd.s32 $0xFFFFE000  }
0x96: {  	_ =	swait.ge [sflag:s28], $0x2000  }
0x97: {  	[sflag:s28] =	ssyncset.done $0x0  }
0x98: {  	[sflag:s28] =	ssyncadd.s32 $0xFFFFE000  }
0x99: {  	[spmem:s3] =	stream.indirect.scatter.add.f32 [tilespmem:s18], [sflag:$0x7], $0x80, s29, s29, $0xb8;
	[tilespmem:$0x1BE00] =	vst v63  }
0x9a: {  	_ =	swait.ge [sflag:s19], $0x4000  }
0x9b: {  	p1 =	sge.u32 s1, s14;
	[sflag:s19] =	ssyncset.done $0x0  }
0x9c: {  	s6 =	simm.s32 @!p1 $0x0;
	s7 =	simm.s32 @!p1 $0x3;
	[sflag:s19] =	ssyncadd.s32 $0xFFFFC000  }
0x9d: {  	[tilespmem:s6], [sflag:$0x3] =	stream.linear.gather @!p1 [hbm4b:s17+s6], $0x100, $0x38;
	[tilespmem:$0x1BE00] =	vst v63  }
0x9e: {  	_ =	swait.ge @!p1 [sflag:s7], $0x100  }
0x9f: {  	[sflag:s7] =	ssyncset.done @!p1 $0x0  }
0xa0: {  	s10 =	simm.s32 @!p1 $0x200;
	s8 =	simm.s32 @!p1 $0x40;
	[sflag:s7] =	ssyncadd.s32 @!p1 $0xFFFFFF00  }
0xa1: {  	[tilespmem:s10], [sflag:$0x1] =	stream.indirect.gather @!p1 [hbm4b:s2+s8], $0x80, s6, s8, $0xb8;
	[tilespmem:$0x1BE00] =	vst v63  }
0xa2: {  	s6 =	simm.s32 @!p1 $0x2200  }
0xa3: {  	[tilespmem:s6], [sflag:$0x5] =	stream.indirect.gather @!p1 [hbm4b:s2+s8], $0x80, s8, s8, $0xb8;
	[tilespmem:$0x1BE00] =	vst v63  }
0xa4: {  	_ =	swait.ge [sflag:s30], $0x2000  }
0xa5: {  	[sflag:s30] =	ssyncset.done $0x0  }
0xa6: {  	[sflag:s30] =	ssyncadd.s32 $0xFFFFE000  }
0xa7: {  	_ =	swait.ge [sflag:s31], $0x2000  }
0xa8: {  	[sflag:s31] =	ssyncset.done $0x0  }
0xa9: {  	[sflag:s31] =	ssyncadd.s32 $0xFFFFE000  }
0xaa: {  	[spmem:s3] =	stream.indirect.scatter.add.f32 [tilespmem:s20], [sflag:$0x7], $0x80, s0, s29, $0xb8;
	[tilespmem:$0x1BE00] =	vst v63  }
0xab: {  	s11 =	sadd.s32 $0x2, s1;
	p1 =	sge.u32 s1, s15;
	_ =	swait.ge [sflag:s19], $0x4000  }
0xac: {  	s12 =	sadd.s32 $0x1, s11;
	s6 =	sadd.s32 @!p1 $0x20, s17;
	[sflag:s19] =	ssyncset.done $0x0  }
0xad: {  	s7 =	simm.s32 @!p1 $0x100;
	s8 =	simm.s32 @!p1 $0x0;
	[sflag:s19] =	ssyncadd.s32 $0xFFFFC000  }
0xae: {  	[tilespmem:s7], [sflag:$0x4] =	stream.linear.gather @!p1 [hbm4b:s6+s8], $0x100, $0x38;
	[tilespmem:$0x1BE00] =	vst v63  }
0xaf: {  	p1 =	sge.u32 s12, s5  }
0xb0: {  	s6 =	simm.s32 @!p1 $0x4  }
0xb1: {  	_ =	swait.ge @!p1 [sflag:s6], $0x100  }
0xb2: {  	s7 =	simm.s32 @!p1 $0x100;
	[sflag:s6] =	ssyncset.done @!p1 $0x0  }
0xb3: {  	s8 =	simm.s32 @!p1 $0x4200;
	[sflag:s6] =	ssyncadd.s32 @!p1 $0xFFFFFF00;
	s6 =	simm.s32 @!p1 $0x40  }
0xb4: {  	[tilespmem:s8], [sflag:$0x2] =	stream.indirect.gather @!p1 [hbm4b:s2+s6], $0x80, s7, s6, $0xb8;
	[tilespmem:$0x1BE00] =	vst v63  }
0xb5: {  	s7 =	simm.s32 @!p1 $0x140;
	s8 =	simm.s32 @!p1 $0x6200  }
0xb6: {  	[tilespmem:s8], [sflag:$0x6] =	stream.indirect.gather @!p1 [hbm4b:s2+s6], $0x80, s7, s6, $0xb8;
	[tilespmem:$0x1BE00] =	vst v63  }
0xb7: {  	_ =	swait.ge [sflag:s26], $0x2000  }
0xb8: {  	[sflag:s26] =	ssyncset.done $0x0  }
0xb9: {  	[sflag:s26] =	ssyncadd.s32 $0xFFFFE000  }
0xba: {  	_ =	swait.ge [sflag:s28], $0x2000  }
0xbb: {  	[sflag:s28] =	ssyncset.done $0x0  }
0xbc: {  	[sflag:s28] =	ssyncadd.s32 $0xFFFFE000  }
0xbd: {  	[spmem:s3] =	stream.indirect.scatter.add.f32 [tilespmem:s18], [sflag:$0x7], $0x80, s29, s29, $0xb8;
	[tilespmem:$0x1BE00] =	vst v63  }
0xbe: {  	_ =	swait.ge [sflag:s19], $0x4000  }
0xbf: {  	p1 =	sge.u32 s11, s14;
	s6 =	sadd.s32 $0x40, s17;
	[sflag:s19] =	ssyncset.done $0x0  }
0xc0: {  	s7 =	simm.s32 @!p1 $0x0;
	s8 =	simm.s32 @!p1 $0x3;
	[sflag:s19] =	ssyncadd.s32 $0xFFFFC000  }
0xc1: {  	[tilespmem:s7], [sflag:$0x3] =	stream.linear.gather @!p1 [hbm4b:s6+s7], $0x100, $0x38;
	[tilespmem:$0x1BE00] =	vst v63  }
0xc2: {  	_ =	swait.ge @!p1 [sflag:s8], $0x100  }
0xc3: {  	[sflag:s8] =	ssyncset.done @!p1 $0x0  }
0xc4: {  	s10 =	simm.s32 @!p1 $0x200;
	[sflag:s8] =	ssyncadd.s32 @!p1 $0xFFFFFF00;
	s8 =	simm.s32 @!p1 $0x40  }
0xc5: {  	[tilespmem:s10], [sflag:$0x1] =	stream.indirect.gather @!p1 [hbm4b:s2+s8], $0x80, s7, s8, $0xb8;
	[tilespmem:$0x1BE00] =	vst v63  }
0xc6: {  	s7 =	simm.s32 @!p1 $0x2200  }
0xc7: {  	[tilespmem:s7], [sflag:$0x5] =	stream.indirect.gather @!p1 [hbm4b:s2+s8], $0x80, s8, s8, $0xb8;
	[tilespmem:$0x1BE00] =	vst v63  }
0xc8: {  	_ =	swait.ge [sflag:s30], $0x2000  }
0xc9: {  	[sflag:s30] =	ssyncset.done $0x0  }
0xca: {  	[sflag:s30] =	ssyncadd.s32 $0xFFFFE000  }
0xcb: {  	_ =	swait.ge [sflag:s31], $0x2000  }
0xcc: {  	[sflag:s31] =	ssyncset.done $0x0  }
0xcd: {  	[sflag:s31] =	ssyncadd.s32 $0xFFFFE000  }
0xce: {  	[spmem:s3] =	stream.indirect.scatter.add.f32 [tilespmem:s20], [sflag:$0x7], $0x80, s0, s29, $0xb8;
	[tilespmem:$0x1BE00] =	vst v63  }
0xcf: {  	p1 =	sge.u32 s11, s15;
	_ =	swait.ge [sflag:s19], $0x4000  }
0xd0: {  	s13 =	stileid.u32;
	s1 =	sadd.s32 @!p1 $0x20, s6;
	[sflag:s19] =	ssyncset.done $0x0  }
0xd1: {  	s6 =	simm.s32 @!p1 $0x0;
	s7 =	simm.s32 @!p1 $0x100;
	[sflag:s19] =	ssyncadd.s32 $0xFFFFC000  }
0xd2: {  	[tilespmem:s7], [sflag:$0x4] =	stream.linear.gather @!p1 [hbm4b:s1+s6], $0x100, $0x38;
	[tilespmem:$0x1BE00] =	vst v63  }
0xd3: {  	s1 =	sshll.u32 s13, $0x6  }
0xd4: {  	[bflag:$0x0] =	sbarrier.arrive $0xFFFF;
	s1 =	sor.u32 $0x1C07, s1  }
0xd5: {  	[hbm:s23], [sflag:s1] =	dma.local [spmem:s25], $0x2780  }
0xd6: {  	_ =	swait.ge [sflag:s19], $0x2780  }
0xd7: {  	s4 =	sadd.s32 $0x1, s4;
	s17 =	rddreg [dreg:$0x6]  }
0xd8: {  	p1 =	sne.s32 s4, s17  }
.Ltmp4:
0xd9: {  	_ = 	snop;
	(pc) =	sbr.rel @p1 .LBB2_1-.Ltmp4, $4  }
.Ltmp5:
0xda: {  	_ = 	snop;
	(pc) =	sbr.rel @!p1 .LBB2_8-.Ltmp5, $4  }
0xdb: {  	_ = 	snop  }
0xdc: {  	[sflag:s19] =	ssyncset.done $0x0  }
0xdd: {  	[sflag:s19] =	ssyncadd.s32 $0xFFFFD880  }
0xde: {  	_ = 	snop  }
.LBB2_4:
.Ltmp6:
0xdf: {  	(pc) =	sbr.rel .LBB2_7-.Ltmp6, $2  }
0xe0: {  	_ =	sdelay $0x2  }
0xe1: {  	s17 =	smov.u32 s24  }
.LBB2_8:
0xe2: {  	_ =	sfence.sel $0x180000  }
0xe3: {  	[bflag:$0x0] =	sbarrier.arrive $0xFFFF  }
0xe4: {  	_ =	strace $0x9000004A  }
0xe5: {  	s0 =	stileid.u32;
	[bflag:$0x2] =	sbarrier.arrive $0xFFFF  }
0xe6: {  	p0 =	sne.s32 s0, $0x0;
	s0 =	rddreg [dreg:$0x3]  }
0xe7: {  	s0 =	sadd.s32 @!p0 $0x100000, s0  }
0xe8: {  	[sflag:s0] =	ssyncadd.tile.s32 @!p0 $0x1;
	_ =	shalt  }
.Lfunc_end2:
_tile_overlayer_lowered:
.L_overlay_start_2:
0xe9: {  	(tag) =	ssettag $0x2  }
0xea: {  	s0 =	rddreg [dreg:$0x0];
	s2 =	stileid.u32  }
0xeb: {  	s1 =	rddreg [dreg:$0x1];
	p0 =	sne.s32 s2, $0x0  }
0xec: {  	s3 =	rddreg [dreg:$0x2];
	[bflag:$0x3] =	sbarrier.arrive $0xFFFF;
	s2 =	simm.s32 @!p0 $0x1C07  }
0xed: {  	[timem:s3], [sflag:s2] =	dma.local @!p0 [hbm:s0], s1  }
0xee: {  	s0 =	simm.s32 @!p0 $0x7  }
0xef: {  	_ =	swait.ge @!p0 [sflag:s0], s1  }
0xf0: {  	s1 =	ssub.s32 @!p0 $0x0, s1;
	[sflag:s0] =	ssyncset.done @!p0 $0x0  }
0xf1: {  	[sflag:s0] =	ssyncadd.s32 @!p0 s1  }
0xf2: {  	[bflag:$0x3] =	sbarrier.arrive $0xFFFF  }
0xf3: {  	_ =	shalt  }

</sc_bundles>
